<compile_context>
chip_gen: v7x
topology: tpu7x:2x2x1
jax: 0.10.2.dev20260603
libtpu: 0.0.44.dev20260713+nightly
codegen_flags: <defaults>
</compile_context>

<pallas_src>
import functools

import jax
import jax.numpy as jnp
from jax import lax
from jax.experimental import pallas as pl
from jax.experimental.pallas import tpu as pltpu
from jax.experimental.pallas import tpu_sc as plsc

N = 10000
E = 160000
D_IN = 256
H1 = 512
LAT = 128
Q = 2
QW = 128
NC, NS = 2, 16

K = 128
CH_P = 79
EP_P = NS * CH_P * K
NPAD = 10112
NROW = NPAD // NS
DUMMY = 10048

KD = 128
CH_D = 40
EP_D = NC * NS * CH_D * KD
NPAD_D = 10240
NROW_D = NPAD_D // NS
DUMMY_D = 10016

RB = 512
GRID = (N + RB - 1) // RB


def _deg_body(dst_hbm, zeros_hbm, ones_hbm, out_hbm, idx_v, ones_v, acc_s):
    c = lax.axis_index("c")
    s = lax.axis_index("s")
    pltpu.sync_copy(zeros_hbm.at[pl.ds(s * NROW_D, NROW_D)],
                    acc_s.at[pl.ds(s * NROW_D, NROW_D)])
    pltpu.sync_copy(dst_hbm.at[c, s], idx_v)
    pltpu.sync_copy(ones_hbm, ones_v)
    plsc.subcore_barrier()

    def step(j, carry):
        pltpu.sync_copy(ones_v, acc_s.at[idx_v.at[j]], add=True)
        return carry

    lax.fori_loop(0, CH_D, step, 0)
    plsc.subcore_barrier()
    pltpu.sync_copy(acc_s.at[pl.ds(s * NROW_D, NROW_D)],
                    out_hbm.at[c, pl.ds(s * NROW_D, NROW_D)])


@functools.cache
def _deg_kernel():
    mesh = plsc.VectorSubcoreMesh(core_axis_name="c", subcore_axis_name="s",
                                  num_cores=NC, num_subcores=NS)
    return pl.kernel(
        _deg_body,
        out_type=jax.ShapeDtypeStruct((NC, NPAD_D), jnp.float32),
        mesh=mesh,
        scratch_types=[
            pltpu.VMEM((CH_D, KD), jnp.int32),
            pltpu.VMEM((KD,), jnp.float32),
            pltpu.VMEM_SHARED((NPAD_D,), jnp.float32),
        ],
    )


def _prop_body(u_hbm, src_hbm, dst_hbm, zeros_hbm, out_hbm,
               src_v, dst_v, rows_v, acc_s, sem):
    c = lax.axis_index("c")
    s = lax.axis_index("s")
    pltpu.sync_copy(zeros_hbm.at[pl.ds(s * NROW, NROW)],
                    acc_s.at[pl.ds(s * NROW, NROW)])
    pltpu.sync_copy(src_hbm.at[c, s], src_v)
    pltpu.sync_copy(dst_hbm.at[s], dst_v)
    plsc.subcore_barrier()

    def step(j, carry):
        pltpu.async_copy(u_hbm.at[src_v.at[j]], rows_v, sem).wait()
        pltpu.sync_copy(rows_v, acc_s.at[dst_v.at[j]], add=True)
        return carry

    lax.fori_loop(0, CH_P, step, 0)
    plsc.subcore_barrier()
    pltpu.sync_copy(acc_s.at[pl.ds(s * NROW, NROW)],
                    out_hbm.at[pl.ds(c * NPAD + s * NROW, NROW)])


@functools.cache
def _prop_kernel():
    mesh = plsc.VectorSubcoreMesh(core_axis_name="c", subcore_axis_name="s",
                                  num_cores=NC, num_subcores=NS)
    return pl.kernel(
        _prop_body,
        out_type=jax.ShapeDtypeStruct((Q * NPAD, QW), jnp.float32),
        mesh=mesh,
        scratch_types=[
            pltpu.VMEM((CH_P, K), jnp.int32),
            pltpu.VMEM((CH_P, K), jnp.int32),
            pltpu.VMEM((K, QW), jnp.float32),
            pltpu.VMEM_SHARED((NPAD, QW), jnp.float32),
            pltpu.SemaphoreType.DMA,
        ],
    )



def _quarters(t):
    return jnp.stack([t[:, i * QW:(i + 1) * QW] for i in range(Q)], axis=0)


def _pre_body(deg_ref, x_ref, dis_ref, xs_ref):
    deg = deg_ref[0, :] + deg_ref[1, :] + 1.0
    dis = lax.rsqrt(deg)
    dis_ref[...] = dis[:, None]
    xs_ref[...] = _quarters(x_ref[...] * dis[:, None])


def _mid1_body(p_ref, u_ref, dis_ref, x_ref, n_ref,
               w1a_ref, w1b_ref, b1_ref, w2a_ref, w2b_ref, w2c_ref, out_ref):
    dis = dis_ref[...]
    t0 = (p_ref[0] + u_ref[0]) * dis
    t1 = (p_ref[1] + u_ref[1]) * dis
    h1 = jnp.dot(t0, w1a_ref[...], preferred_element_type=jnp.float32)
    h1 += jnp.dot(t1, w1b_ref[...], preferred_element_type=jnp.float32)
    h1 = jax.nn.relu(h1 + b1_ref[...])
    t2 = jnp.dot(x_ref[...], w2a_ref[...], preferred_element_type=jnp.float32)
    t2 += jnp.dot(n_ref[...], w2b_ref[...], preferred_element_type=jnp.float32)
    t2 += jnp.dot(h1, w2c_ref[...], preferred_element_type=jnp.float32)
    out_ref[...] = _quarters(t2 * dis)


def _mid2_body(p_ref, u_ref, dis_ref, x_ref,
               b2a_ref, b2b_ref, w3a_ref, w3c0_ref, w3c1_ref, out_ref):
    dis = dis_ref[...]
    h2_0 = jax.nn.relu((p_ref[0] + u_ref[0]) * dis + b2a_ref[...])
    h2_1 = jax.nn.relu((p_ref[1] + u_ref[1]) * dis + b2b_ref[...])
    t3 = jnp.dot(x_ref[...], w3a_ref[...], preferred_element_type=jnp.float32)
    t3 += jnp.dot(h2_0, w3c0_ref[...], preferred_element_type=jnp.float32)
    t3 += jnp.dot(h2_1, w3c1_ref[...], preferred_element_type=jnp.float32)
    out_ref[...] = _quarters(t3 * dis)


def _post_body(p_ref, u_ref, dis_ref, bm_ref, bl_ref, zm_ref, zl_ref):
    dis = dis_ref[...]
    zm_ref[...] = (p_ref[0] + u_ref[0]) * dis + bm_ref[...]
    zl_ref[...] = (p_ref[1] + u_ref[1]) * dis + bl_ref[...]


def _rowspec(width):
    return pl.BlockSpec((RB, width), lambda i: (i, 0))


def _qspec():
    return pl.BlockSpec((Q, RB, QW), lambda i: (0, i, 0))


def _fullspec(shape):
    nd = len(shape)
    return pl.BlockSpec(shape, lambda i, _nd=nd: (0,) * _nd)


_pre_call = pl.pallas_call(
    _pre_body,
    grid=(GRID,),
    in_specs=[pl.BlockSpec((NC, RB), lambda i: (0, i)), _rowspec(D_IN)],
    out_specs=[_rowspec(1), _qspec()],
    out_shape=[jax.ShapeDtypeStruct((N, 1), jnp.float32),
               jax.ShapeDtypeStruct((Q, N, QW), jnp.float32)],
)

_mid1_call = pl.pallas_call(
    _mid1_body,
    grid=(GRID,),
    in_specs=[_qspec(), _qspec(), _rowspec(1), _rowspec(D_IN),
              _rowspec(D_IN), _fullspec((QW, H1)), _fullspec((QW, H1)),
              _fullspec((1, H1)), _fullspec((D_IN, D_IN)),
              _fullspec((D_IN, D_IN)), _fullspec((H1, D_IN))],
    out_specs=_qspec(),
    out_shape=jax.ShapeDtypeStruct((Q, N, QW), jnp.float32),
)

_mid2_call = pl.pallas_call(
    _mid2_body,
    grid=(GRID,),
    in_specs=[_qspec(), _qspec(), _rowspec(1), _rowspec(D_IN),
              _fullspec((1, QW)), _fullspec((1, QW)),
              _fullspec((D_IN, D_IN)), _fullspec((QW, D_IN)),
              _fullspec((QW, D_IN))],
    out_specs=_qspec(),
    out_shape=jax.ShapeDtypeStruct((Q, N, QW), jnp.float32),
)

_post_call = pl.pallas_call(
    _post_body,
    grid=(GRID,),
    in_specs=[_qspec(), _qspec(), _rowspec(1),
              _fullspec((1, LAT)), _fullspec((1, LAT))],
    out_specs=[_rowspec(LAT), _rowspec(LAT)],
    out_shape=[jax.ShapeDtypeStruct((N, LAT), jnp.float32),
               jax.ShapeDtypeStruct((N, LAT), jnp.float32)],
)


def kernel(x, edge_index, noise, W1, b1, W2, b2, Wm, bm, Wl, bl):
    src = edge_index[0].astype(jnp.int32)
    dst = edge_index[1].astype(jnp.int32)

    dst_d = jnp.concatenate(
        [dst, jnp.full((EP_D - E,), DUMMY_D, jnp.int32)]).reshape(NC, NS, CH_D, KD)
    src_p = jnp.concatenate([src, jnp.zeros((EP_P - E,), jnp.int32)])
    src_p = jnp.stack([src_p, src_p + N]).reshape(NC, NS, CH_P, K)
    dst_p = jnp.concatenate(
        [dst, jnp.full((EP_P - E,), DUMMY, jnp.int32)]).reshape(NS, CH_P, K)

    zeros_1d = jnp.zeros((NPAD_D,), jnp.float32)
    ones_k = jnp.ones((KD,), jnp.float32)
    zeros_q = jnp.zeros((NPAD, QW), jnp.float32)

    w1a, w1b = W1[:QW], W1[QW:]
    w2a, w2b, w2c = W2[:D_IN], W2[D_IN:2 * D_IN], W2[2 * D_IN:]
    W3 = jnp.concatenate([Wm, Wl], axis=1)
    w3a, w3c0, w3c1 = W3[:D_IN], W3[D_IN:D_IN + QW], W3[D_IN + QW:]
    b1r = b1.reshape(1, H1)
    b2a, b2b = b2[:QW].reshape(1, QW), b2[QW:].reshape(1, QW)
    bmr, blr = bm.reshape(1, LAT), bl.reshape(1, LAT)

    deg2 = _deg_kernel()(dst_d, zeros_1d, ones_k)

    prop = _prop_kernel()
    dis, xs4 = _pre_call(deg2, x)
    p1 = prop(xs4.reshape(Q * N, QW), src_p, dst_p, zeros_q)
    t2s = _mid1_call(p1.reshape(Q, NPAD, QW), xs4, dis, x, noise,
                     w1a, w1b, b1r, w2a, w2b, w2c)
    p2 = prop(t2s.reshape(Q * N, QW), src_p, dst_p, zeros_q)
    t3s = _mid2_call(p2.reshape(Q, NPAD, QW), t2s, dis, x,
                     b2a, b2b, w3a, w3c0, w3c1)
    p3 = prop(t3s.reshape(Q * N, QW), src_p, dst_p, zeros_q)
    z_mean, z_logstd = _post_call(p3.reshape(Q, NPAD, QW), t3s, dis, bmr, blr)
    return (z_mean, z_logstd)

# --- scband reference (transcript-rebuilt; emitter-appended) ---
"""Pipeline reference for scband-gcn-encoder-34600256537516 (READ-ONLY COPY).

The authoritative reference and input builder live on the scoring server;
editing this copy changes nothing except your own understanding.
"""

import jax, jax.numpy as jnp
import numpy as np

N = 10000
E = 160000
D_IN = 256
H1 = 512
H2 = 256
LAT = 128


def _glorot(key, shape):
    fan_in = shape[0]
    return jax.random.normal(key, shape, dtype=jnp.float32) / jnp.sqrt(jnp.float32(fan_in))


def setup_inputs(seed: int = 0) -> dict:
    key = jax.random.key(seed)
    ks = jax.random.split(key, 12)
    x = jax.random.normal(ks[0], (N, D_IN), dtype=jnp.float32)
    edge_index = jax.random.randint(ks[1], (2, E), 0, N, dtype=jnp.int32)
    # noise corresponds to torch.randn_like(x) inside forward; materialized here for determinism
    noise = jax.random.normal(ks[2], (N, D_IN), dtype=jnp.float32)
    W1 = _glorot(ks[3], (D_IN, H1)); b1 = jnp.zeros((H1,), dtype=jnp.float32)
    W2 = _glorot(ks[4], (H1 + 2 * D_IN, H2)); b2 = jnp.zeros((H2,), dtype=jnp.float32)
    Wm = _glorot(ks[5], (H2 + D_IN, LAT)); bm = jnp.zeros((LAT,), dtype=jnp.float32)
    Wl = _glorot(ks[6], (H2 + D_IN, LAT)); bl = jnp.zeros((LAT,), dtype=jnp.float32)
    return {"x": x, "edge_index": edge_index, "noise": noise,
            "W1": W1, "b1": b1, "W2": W2, "b2": b2,
            "Wm": Wm, "bm": bm, "Wl": Wl, "bl": bl}


def _prep_edges(edge_index):
    # GCN normalization with added self-loops: D^{-1/2} (A + I) D^{-1/2}
    src = edge_index[0]
    dst = edge_index[1]
    loop = jnp.arange(N, dtype=src.dtype)
    src = jnp.concatenate([src, loop])
    dst = jnp.concatenate([dst, loop])
    deg = jax.ops.segment_sum(jnp.ones_like(src, dtype=jnp.float32), dst, num_segments=N)
    dis = jnp.where(deg > 0, 1.0 / jnp.sqrt(deg), 0.0)
    norm = dis[src] * dis[dst]
    return src, dst, norm


def _gcn_conv(x, W, b, src, dst, norm):
    h = x @ W                       # dense transform (MXU)
    msg = jnp.take(h, src, axis=0) * norm[:, None]   # gather (SparseCore)
    out = jax.ops.segment_sum(msg, dst, num_segments=N)  # scatter-add
    return out + b


def reference(x, edge_index, noise, W1, b1, W2, b2, Wm, bm, Wl, bl):
    src, dst, norm = _prep_edges(edge_index)
    h1 = jax.nn.relu(_gcn_conv(x, W1, b1, src, dst, norm))
    h1c = jnp.concatenate([x, noise, h1], axis=1)
    h2 = jax.nn.relu(_gcn_conv(h1c, W2, b2, src, dst, norm))
    # F.dropout(p=0.4, training=False) -> identity in eval mode
    last = jnp.concatenate([x, h2], axis=1)
    z_mean = _gcn_conv(last, Wm, bm, src, dst, norm)
    z_logstd = _gcn_conv(last, Wl, bl, src, dst, norm)
    return (z_mean, z_logstd)

if __name__ == "__main__":
    import jax
    _d = setup_inputs()
    print(jax.jit(kernel)(*tuple(_d.values())))

</pallas_src>

<mosaic_0001>
#map = affine_map<(d0, d1) -> (0, 0, 0, 0)>
#map1 = affine_map<(d0, d1) -> (0)>
#map2 = affine_map<(d0, d1) -> (0, 0)>
module attributes {stable_mosaic.version = 14 : i64} {
  func.func @_deg_body(%arg0: i32, %arg1: i32, %arg2: memref<2x16x40x128xi32, #tpu.memory_space<hbm>>, %arg3: memref<10240xf32, #tpu.memory_space<hbm>>, %arg4: memref<128xf32, #tpu.memory_space<hbm>>, %arg5: memref<2x10240xf32, #tpu.memory_space<hbm>>, %arg6: memref<40x128xi32, #tpu.memory_space<vmem>>, %arg7: memref<128xf32, #tpu.memory_space<vmem>>, %arg8: memref<10240xf32, #tpu.memory_space<vmem_shared>>) attributes {dimension_semantics = [#tpu.dimension_semantics<core_parallel>, #tpu.dimension_semantics<subcore_parallel>], iteration_bounds = array<i64: 2, 16>, scalar_prefetch = 0 : i64, scratch_operands = 3 : i64, tpu.core_type = #tpu.core_type<sc_vector_subcore>, window_params = [{transform_indices = #map}, {transform_indices = #map1}, {transform_indices = #map1}, {transform_indices = #map2}]} {
    %mul3A = arith.constant 640 : i32
    %mul3A_0 = arith.muli %arg1, %mul3A : i32
    %mul3A_1 = arith.constant 640 : i32
    %mul3A_2 = arith.muli %arg1, %mul3A_1 : i32
    "tpu.region"() ({
      %run_scoped3A = tpu.sem_alloc : memref<!tpu.dma_semaphore, #tpu.memory_space<semaphore_mem>>
      %dma_start3A = tpu.memref_slice %arg8[%mul3A_2] : memref<10240xf32, #tpu.memory_space<vmem_shared>> -> memref<640xf32, #tpu.memory_space<vmem_shared>>
      %dma_start3A_13 = tpu.memref_slice %arg3[%mul3A_0] : memref<10240xf32, #tpu.memory_space<hbm>> -> memref<640xf32, #tpu.memory_space<hbm>>
      tpu.enqueue_dma source(%dma_start3A_13 : memref<640xf32, #tpu.memory_space<hbm>>) target(%dma_start3A : memref<640xf32, #tpu.memory_space<vmem_shared>>) target_semaphore(%run_scoped3A : memref<!tpu.dma_semaphore, #tpu.memory_space<semaphore_mem>>)
      %dma_wait3A = tpu.memref_slice %arg8[%mul3A_2] : memref<10240xf32, #tpu.memory_space<vmem_shared>> -> memref<640xf32, #tpu.memory_space<vmem_shared>>
      %dma_wait3A_14 = tpu.memref_slice %arg3[%mul3A_0] : memref<10240xf32, #tpu.memory_space<hbm>> -> memref<640xf32, #tpu.memory_space<hbm>>
      tpu.wait_dma2 semaphore(%run_scoped3A : memref<!tpu.dma_semaphore, #tpu.memory_space<semaphore_mem>>) src(%dma_wait3A_14 : memref<640xf32, #tpu.memory_space<hbm>>) dst(%dma_wait3A : memref<640xf32, #tpu.memory_space<vmem_shared>>)
      tpu.yield
    }) : () -> ()
    "tpu.region"() ({
      %run_scoped3A = tpu.sem_alloc : memref<!tpu.dma_semaphore, #tpu.memory_space<semaphore_mem>>
      %dma_start3A = arith.constant 0 : i32
      %dma_start3A_13 = arith.constant 0 : i32
      %dma_start3A_14 = tpu.memref_slice %arg2[%arg0, %arg1, %dma_start3A, %dma_start3A_13] : memref<2x16x40x128xi32, #tpu.memory_space<hbm>> -> memref<1x1x40x128xi32, #tpu.memory_space<hbm>>
      %dma_start3A_15 = tpu.memref_squeeze %dma_start3A_14 : memref<1x1x40x128xi32, #tpu.memory_space<hbm>> -> memref<40x128xi32, #tpu.memory_space<hbm>>
      %dma_start3A_16 = arith.constant 0 : i32
      %dma_start3A_17 = arith.constant 0 : i32
      %dma_start3A_18 = tpu.memref_slice %arg2[%arg0, %arg1, %dma_start3A_16, %dma_start3A_17] : memref<2x16x40x128xi32, #tpu.memory_space<hbm>> -> memref<1x1x40x128xi32, #tpu.memory_space<hbm>>
      %dma_start3A_19 = tpu.memref_squeeze %dma_start3A_18 : memref<1x1x40x128xi32, #tpu.memory_space<hbm>> -> memref<40x128xi32, #tpu.memory_space<hbm>>
      tpu.enqueue_dma source(%dma_start3A_19 : memref<40x128xi32, #tpu.memory_space<hbm>>) target(%arg6 : memref<40x128xi32, #tpu.memory_space<vmem>>) target_semaphore(%run_scoped3A : memref<!tpu.dma_semaphore, #tpu.memory_space<semaphore_mem>>)
      %dma_wait3A = arith.constant 0 : i32
      %dma_wait3A_20 = arith.constant 0 : i32
      %dma_wait3A_21 = tpu.memref_slice %arg2[%arg0, %arg1, %dma_wait3A, %dma_wait3A_20] : memref<2x16x40x128xi32, #tpu.memory_space<hbm>> -> memref<1x1x40x128xi32, #tpu.memory_space<hbm>>
      %dma_wait3A_22 = tpu.memref_squeeze %dma_wait3A_21 : memref<1x1x40x128xi32, #tpu.memory_space<hbm>> -> memref<40x128xi32, #tpu.memory_space<hbm>>
      %dma_wait3A_23 = arith.constant 0 : i32
      %dma_wait3A_24 = arith.constant 0 : i32
      %dma_wait3A_25 = tpu.memref_slice %arg2[%arg0, %arg1, %dma_wait3A_23, %dma_wait3A_24] : memref<2x16x40x128xi32, #tpu.memory_space<hbm>> -> memref<1x1x40x128xi32, #tpu.memory_space<hbm>>
      %dma_wait3A_26 = tpu.memref_squeeze %dma_wait3A_25 : memref<1x1x40x128xi32, #tpu.memory_space<hbm>> -> memref<40x128xi32, #tpu.memory_space<hbm>>
      tpu.wait_dma2 semaphore(%run_scoped3A : memref<!tpu.dma_semaphore, #tpu.memory_space<semaphore_mem>>) src(%dma_wait3A_26 : memref<40x128xi32, #tpu.memory_space<hbm>>) dst(%arg6 : memref<40x128xi32, #tpu.memory_space<vmem>>)
      tpu.yield
    }) : () -> ()
    "tpu.region"() ({
      %run_scoped3A = tpu.sem_alloc : memref<!tpu.dma_semaphore, #tpu.memory_space<semaphore_mem>>
      tpu.enqueue_dma source(%arg4 : memref<128xf32, #tpu.memory_space<hbm>>) target(%arg7 : memref<128xf32, #tpu.memory_space<vmem>>) target_semaphore(%run_scoped3A : memref<!tpu.dma_semaphore, #tpu.memory_space<semaphore_mem>>)
      tpu.wait_dma2 semaphore(%run_scoped3A : memref<!tpu.dma_semaphore, #tpu.memory_space<semaphore_mem>>) src(%arg4 : memref<128xf32, #tpu.memory_space<hbm>>) dst(%arg7 : memref<128xf32, #tpu.memory_space<vmem>>)
      tpu.yield
    }) : () -> ()
    %barrier3A = arith.constant 0 : index
    tpu.barrier barrier_id(%barrier3A)
    %scan3A = arith.constant 0 : i32
    %scan3A_3 = arith.constant 0 : i32
    %scan3A_4 = arith.constant 40 : i32
    %scan3A_5 = arith.addi %scan3A_3, %scan3A_4 : i32
    %scan3A_6 = arith.constant 1 : i32
    scf.for %scan3A_13 = %scan3A_3 to %scan3A_5 step %scan3A_6  : i32 {
      "tpu.region"() ({
        %run_scoped3A = tpu.sem_alloc : memref<!tpu.dma_semaphore, #tpu.memory_space<semaphore_mem>>
        %dma_start3A = arith.constant 0 : i32
        %dma_start3A_14 = tpu.memref_slice %arg6[%scan3A_13, %dma_start3A] : memref<40x128xi32, #tpu.memory_space<vmem>> -> memref<1x128xi32, #tpu.memory_space<vmem>>
        %dma_start3A_15 = tpu.memref_squeeze %dma_start3A_14 : memref<1x128xi32, #tpu.memory_space<vmem>> -> memref<128xi32, #tpu.memory_space<vmem>>
        %dma_start3A_16 = arith.constant 0 : i32
        %dma_start3A_17 = tpu.memref_slice %arg8[%dma_start3A_16] : memref<10240xf32, #tpu.memory_space<vmem_shared>> -> memref<10240xf32, #tpu.memory_space<vmem_shared>>
        tpu.enqueue_indirect_dma source(%arg7 : memref<128xf32, #tpu.memory_space<vmem>>) target(%dma_start3A_17 : memref<10240xf32, #tpu.memory_space<vmem_shared>>) offsets(%dma_start3A_15 : memref<128xi32, #tpu.memory_space<vmem>>) semaphore(%run_scoped3A : memref<!tpu.dma_semaphore, #tpu.memory_space<semaphore_mem>>) {add = true}
        %dma_wait3A = arith.constant 0 : i32
        %dma_wait3A_18 = tpu.memref_slice %arg6[%scan3A_13, %dma_wait3A] : memref<40x128xi32, #tpu.memory_space<vmem>> -> memref<1x128xi32, #tpu.memory_space<vmem>>
        %dma_wait3A_19 = tpu.memref_squeeze %dma_wait3A_18 : memref<1x128xi32, #tpu.memory_space<vmem>> -> memref<128xi32, #tpu.memory_space<vmem>>
        %dma_wait3A_20 = arith.constant 0 : i32
        %dma_wait3A_21 = tpu.memref_slice %arg8[%dma_wait3A_20] : memref<10240xf32, #tpu.memory_space<vmem_shared>> -> memref<10240xf32, #tpu.memory_space<vmem_shared>>
        tpu.wait_indirect_dma semaphore(%run_scoped3A : memref<!tpu.dma_semaphore, #tpu.memory_space<semaphore_mem>>) src(%arg7 : memref<128xf32, #tpu.memory_space<vmem>>) dst(%dma_wait3A_21 : memref<10240xf32, #tpu.memory_space<vmem_shared>>)
        tpu.yield
      }) : () -> ()
    }
    %scan3A_7 = arith.constant 40 : i32
    %barrier3A_8 = arith.constant 0 : index
    tpu.barrier barrier_id(%barrier3A_8)
    %mul3A_9 = arith.constant 640 : i32
    %mul3A_10 = arith.muli %arg1, %mul3A_9 : i32
    %mul3A_11 = arith.constant 640 : i32
    %mul3A_12 = arith.muli %arg1, %mul3A_11 : i32
    "tpu.region"() ({
      %run_scoped3A = tpu.sem_alloc : memref<!tpu.dma_semaphore, #tpu.memory_space<semaphore_mem>>
      %dma_start3A = tpu.memref_slice %arg5[%arg0, %mul3A_12] : memref<2x10240xf32, #tpu.memory_space<hbm>> -> memref<1x640xf32, #tpu.memory_space<hbm>>
      %dma_start3A_13 = tpu.memref_squeeze %dma_start3A : memref<1x640xf32, #tpu.memory_space<hbm>> -> memref<640xf32, #tpu.memory_space<hbm>>
      %dma_start3A_14 = tpu.memref_slice %arg8[%mul3A_10] : memref<10240xf32, #tpu.memory_space<vmem_shared>> -> memref<640xf32, #tpu.memory_space<vmem_shared>>
      tpu.enqueue_dma source(%dma_start3A_14 : memref<640xf32, #tpu.memory_space<vmem_shared>>) target(%dma_start3A_13 : memref<640xf32, #tpu.memory_space<hbm>>) target_semaphore(%run_scoped3A : memref<!tpu.dma_semaphore, #tpu.memory_space<semaphore_mem>>)
      %dma_wait3A = tpu.memref_slice %arg5[%arg0, %mul3A_12] : memref<2x10240xf32, #tpu.memory_space<hbm>> -> memref<1x640xf32, #tpu.memory_space<hbm>>
      %dma_wait3A_15 = tpu.memref_squeeze %dma_wait3A : memref<1x640xf32, #tpu.memory_space<hbm>> -> memref<640xf32, #tpu.memory_space<hbm>>
      %dma_wait3A_16 = tpu.memref_slice %arg8[%mul3A_10] : memref<10240xf32, #tpu.memory_space<vmem_shared>> -> memref<640xf32, #tpu.memory_space<vmem_shared>>
      tpu.wait_dma2 semaphore(%run_scoped3A : memref<!tpu.dma_semaphore, #tpu.memory_space<semaphore_mem>>) src(%dma_wait3A_16 : memref<640xf32, #tpu.memory_space<vmem_shared>>) dst(%dma_wait3A_15 : memref<640xf32, #tpu.memory_space<hbm>>)
      tpu.yield
    }) : () -> ()
    return
  }
}

#map = affine_map<(d0, d1) -> (0, 0)>
#map1 = affine_map<(d0, d1) -> (0, 0, 0, 0)>
#map2 = affine_map<(d0, d1) -> (0, 0, 0)>
module attributes {stable_mosaic.version = 14 : i64} {
  func.func @_prop_body(%arg0: i32, %arg1: i32, %arg2: memref<20000x128xf32, #tpu.memory_space<hbm>>, %arg3: memref<2x16x79x128xi32, #tpu.memory_space<hbm>>, %arg4: memref<16x79x128xi32, #tpu.memory_space<hbm>>, %arg5: memref<10112x128xf32, #tpu.memory_space<hbm>>, %arg6: memref<20224x128xf32, #tpu.memory_space<hbm>>, %arg7: memref<79x128xi32, #tpu.memory_space<vmem>>, %arg8: memref<79x128xi32, #tpu.memory_space<vmem>>, %arg9: memref<128x128xf32, #tpu.memory_space<vmem>>, %arg10: memref<10112x128xf32, #tpu.memory_space<vmem_shared>>, %arg11: memref<!tpu.dma_semaphore, #tpu.memory_space<semaphore_mem>>) attributes {dimension_semantics = [#tpu.dimension_semantics<core_parallel>, #tpu.dimension_semantics<subcore_parallel>], iteration_bounds = array<i64: 2, 16>, scalar_prefetch = 0 : i64, scratch_operands = 5 : i64, tpu.core_type = #tpu.core_type<sc_vector_subcore>, window_params = [{transform_indices = #map}, {transform_indices = #map1}, {transform_indices = #map2}, {transform_indices = #map}, {transform_indices = #map}]} {
    %mul3A = arith.constant 632 : i32
    %mul3A_0 = arith.muli %arg1, %mul3A : i32
    %mul3A_1 = arith.constant 632 : i32
    %mul3A_2 = arith.muli %arg1, %mul3A_1 : i32
    "tpu.region"() ({
      %run_scoped3A = tpu.sem_alloc : memref<!tpu.dma_semaphore, #tpu.memory_space<semaphore_mem>>
      %dma_start3A = arith.constant 0 : i32
      %dma_start3A_15 = tpu.memref_slice %arg10[%mul3A_2, %dma_start3A] : memref<10112x128xf32, #tpu.memory_space<vmem_shared>> -> memref<632x128xf32, #tpu.memory_space<vmem_shared>>
      %dma_start3A_16 = arith.constant 0 : i32
      %dma_start3A_17 = tpu.memref_slice %arg5[%mul3A_0, %dma_start3A_16] : memref<10112x128xf32, #tpu.memory_space<hbm>> -> memref<632x128xf32, #tpu.memory_space<hbm>>
      tpu.enqueue_dma source(%dma_start3A_17 : memref<632x128xf32, #tpu.memory_space<hbm>>) target(%dma_start3A_15 : memref<632x128xf32, #tpu.memory_space<vmem_shared>>) target_semaphore(%run_scoped3A : memref<!tpu.dma_semaphore, #tpu.memory_space<semaphore_mem>>)
      %dma_wait3A = arith.constant 0 : i32
      %dma_wait3A_18 = tpu.memref_slice %arg10[%mul3A_2, %dma_wait3A] : memref<10112x128xf32, #tpu.memory_space<vmem_shared>> -> memref<632x128xf32, #tpu.memory_space<vmem_shared>>
      %dma_wait3A_19 = arith.constant 0 : i32
      %dma_wait3A_20 = tpu.memref_slice %arg5[%mul3A_0, %dma_wait3A_19] : memref<10112x128xf32, #tpu.memory_space<hbm>> -> memref<632x128xf32, #tpu.memory_space<hbm>>
      tpu.wait_dma2 semaphore(%run_scoped3A : memref<!tpu.dma_semaphore, #tpu.memory_space<semaphore_mem>>) src(%dma_wait3A_20 : memref<632x128xf32, #tpu.memory_space<hbm>>) dst(%dma_wait3A_18 : memref<632x128xf32, #tpu.memory_space<vmem_shared>>)
      tpu.yield
    }) : () -> ()
    "tpu.region"() ({
      %run_scoped3A = tpu.sem_alloc : memref<!tpu.dma_semaphore, #tpu.memory_space<semaphore_mem>>
      %dma_start3A = arith.constant 0 : i32
      %dma_start3A_15 = arith.constant 0 : i32
      %dma_start3A_16 = tpu.memref_slice %arg3[%arg0, %arg1, %dma_start3A, %dma_start3A_15] : memref<2x16x79x128xi32, #tpu.memory_space<hbm>> -> memref<1x1x79x128xi32, #tpu.memory_space<hbm>>
      %dma_start3A_17 = tpu.memref_squeeze %dma_start3A_16 : memref<1x1x79x128xi32, #tpu.memory_space<hbm>> -> memref<79x128xi32, #tpu.memory_space<hbm>>
      %dma_start3A_18 = arith.constant 0 : i32
      %dma_start3A_19 = arith.constant 0 : i32
      %dma_start3A_20 = tpu.memref_slice %arg3[%arg0, %arg1, %dma_start3A_18, %dma_start3A_19] : memref<2x16x79x128xi32, #tpu.memory_space<hbm>> -> memref<1x1x79x128xi32, #tpu.memory_space<hbm>>
      %dma_start3A_21 = tpu.memref_squeeze %dma_start3A_20 : memref<1x1x79x128xi32, #tpu.memory_space<hbm>> -> memref<79x128xi32, #tpu.memory_space<hbm>>
      tpu.enqueue_dma source(%dma_start3A_21 : memref<79x128xi32, #tpu.memory_space<hbm>>) target(%arg7 : memref<79x128xi32, #tpu.memory_space<vmem>>) target_semaphore(%run_scoped3A : memref<!tpu.dma_semaphore, #tpu.memory_space<semaphore_mem>>)
      %dma_wait3A = arith.constant 0 : i32
      %dma_wait3A_22 = arith.constant 0 : i32
      %dma_wait3A_23 = tpu.memref_slice %arg3[%arg0, %arg1, %dma_wait3A, %dma_wait3A_22] : memref<2x16x79x128xi32, #tpu.memory_space<hbm>> -> memref<1x1x79x128xi32, #tpu.memory_space<hbm>>
      %dma_wait3A_24 = tpu.memref_squeeze %dma_wait3A_23 : memref<1x1x79x128xi32, #tpu.memory_space<hbm>> -> memref<79x128xi32, #tpu.memory_space<hbm>>
      %dma_wait3A_25 = arith.constant 0 : i32
      %dma_wait3A_26 = arith.constant 0 : i32
      %dma_wait3A_27 = tpu.memref_slice %arg3[%arg0, %arg1, %dma_wait3A_25, %dma_wait3A_26] : memref<2x16x79x128xi32, #tpu.memory_space<hbm>> -> memref<1x1x79x128xi32, #tpu.memory_space<hbm>>
      %dma_wait3A_28 = tpu.memref_squeeze %dma_wait3A_27 : memref<1x1x79x128xi32, #tpu.memory_space<hbm>> -> memref<79x128xi32, #tpu.memory_space<hbm>>
      tpu.wait_dma2 semaphore(%run_scoped3A : memref<!tpu.dma_semaphore, #tpu.memory_space<semaphore_mem>>) src(%dma_wait3A_28 : memref<79x128xi32, #tpu.memory_space<hbm>>) dst(%arg7 : memref<79x128xi32, #tpu.memory_space<vmem>>)
      tpu.yield
    }) : () -> ()
    "tpu.region"() ({
      %run_scoped3A = tpu.sem_alloc : memref<!tpu.dma_semaphore, #tpu.memory_space<semaphore_mem>>
      %dma_start3A = arith.constant 0 : i32
      %dma_start3A_15 = arith.constant 0 : i32
      %dma_start3A_16 = tpu.memref_slice %arg4[%arg1, %dma_start3A, %dma_start3A_15] : memref<16x79x128xi32, #tpu.memory_space<hbm>> -> memref<1x79x128xi32, #tpu.memory_space<hbm>>
      %dma_start3A_17 = tpu.memref_squeeze %dma_start3A_16 : memref<1x79x128xi32, #tpu.memory_space<hbm>> -> memref<79x128xi32, #tpu.memory_space<hbm>>
      %dma_start3A_18 = arith.constant 0 : i32
      %dma_start3A_19 = arith.constant 0 : i32
      %dma_start3A_20 = tpu.memref_slice %arg4[%arg1, %dma_start3A_18, %dma_start3A_19] : memref<16x79x128xi32, #tpu.memory_space<hbm>> -> memref<1x79x128xi32, #tpu.memory_space<hbm>>
      %dma_start3A_21 = tpu.memref_squeeze %dma_start3A_20 : memref<1x79x128xi32, #tpu.memory_space<hbm>> -> memref<79x128xi32, #tpu.memory_space<hbm>>
      tpu.enqueue_dma source(%dma_start3A_21 : memref<79x128xi32, #tpu.memory_space<hbm>>) target(%arg8 : memref<79x128xi32, #tpu.memory_space<vmem>>) target_semaphore(%run_scoped3A : memref<!tpu.dma_semaphore, #tpu.memory_space<semaphore_mem>>)
      %dma_wait3A = arith.constant 0 : i32
      %dma_wait3A_22 = arith.constant 0 : i32
      %dma_wait3A_23 = tpu.memref_slice %arg4[%arg1, %dma_wait3A, %dma_wait3A_22] : memref<16x79x128xi32, #tpu.memory_space<hbm>> -> memref<1x79x128xi32, #tpu.memory_space<hbm>>
      %dma_wait3A_24 = tpu.memref_squeeze %dma_wait3A_23 : memref<1x79x128xi32, #tpu.memory_space<hbm>> -> memref<79x128xi32, #tpu.memory_space<hbm>>
      %dma_wait3A_25 = arith.constant 0 : i32
      %dma_wait3A_26 = arith.constant 0 : i32
      %dma_wait3A_27 = tpu.memref_slice %arg4[%arg1, %dma_wait3A_25, %dma_wait3A_26] : memref<16x79x128xi32, #tpu.memory_space<hbm>> -> memref<1x79x128xi32, #tpu.memory_space<hbm>>
      %dma_wait3A_28 = tpu.memref_squeeze %dma_wait3A_27 : memref<1x79x128xi32, #tpu.memory_space<hbm>> -> memref<79x128xi32, #tpu.memory_space<hbm>>
      tpu.wait_dma2 semaphore(%run_scoped3A : memref<!tpu.dma_semaphore, #tpu.memory_space<semaphore_mem>>) src(%dma_wait3A_28 : memref<79x128xi32, #tpu.memory_space<hbm>>) dst(%arg8 : memref<79x128xi32, #tpu.memory_space<vmem>>)
      tpu.yield
    }) : () -> ()
    %barrier3A = arith.constant 0 : index
    tpu.barrier barrier_id(%barrier3A)
    %scan3A = arith.constant 0 : i32
    %scan3A_3 = arith.constant 0 : i32
    %scan3A_4 = arith.constant 79 : i32
    %scan3A_5 = arith.addi %scan3A_3, %scan3A_4 : i32
    %scan3A_6 = arith.constant 1 : i32
    scf.for %scan3A_15 = %scan3A_3 to %scan3A_5 step %scan3A_6  : i32 {
      %dma_start3A = arith.constant 0 : i32
      %dma_start3A_16 = tpu.memref_slice %arg7[%scan3A_15, %dma_start3A] : memref<79x128xi32, #tpu.memory_space<vmem>> -> memref<1x128xi32, #tpu.memory_space<vmem>>
      %dma_start3A_17 = tpu.memref_squeeze %dma_start3A_16 : memref<1x128xi32, #tpu.memory_space<vmem>> -> memref<128xi32, #tpu.memory_space<vmem>>
      %dma_start3A_18 = arith.constant 0 : i32
      %dma_start3A_19 = arith.constant 0 : i32
      %dma_start3A_20 = tpu.memref_slice %arg2[%dma_start3A_18, %dma_start3A_19] : memref<20000x128xf32, #tpu.memory_space<hbm>> -> memref<20000x128xf32, #tpu.memory_space<hbm>>
      tpu.enqueue_indirect_dma source(%dma_start3A_20 : memref<20000x128xf32, #tpu.memory_space<hbm>>) target(%arg9 : memref<128x128xf32, #tpu.memory_space<vmem>>) offsets(%dma_start3A_17 : memref<128xi32, #tpu.memory_space<vmem>>) semaphore(%arg11 : memref<!tpu.dma_semaphore, #tpu.memory_space<semaphore_mem>>)
      %dma_wait3A = arith.constant 0 : i32
      %dma_wait3A_21 = tpu.memref_slice %arg7[%scan3A_15, %dma_wait3A] : memref<79x128xi32, #tpu.memory_space<vmem>> -> memref<1x128xi32, #tpu.memory_space<vmem>>
      %dma_wait3A_22 = tpu.memref_squeeze %dma_wait3A_21 : memref<1x128xi32, #tpu.memory_space<vmem>> -> memref<128xi32, #tpu.memory_space<vmem>>
      %dma_wait3A_23 = arith.constant 0 : i32
      %dma_wait3A_24 = arith.constant 0 : i32
      %dma_wait3A_25 = tpu.memref_slice %arg2[%dma_wait3A_23, %dma_wait3A_24] : memref<20000x128xf32, #tpu.memory_space<hbm>> -> memref<20000x128xf32, #tpu.memory_space<hbm>>
      tpu.wait_indirect_dma semaphore(%arg11 : memref<!tpu.dma_semaphore, #tpu.memory_space<semaphore_mem>>) src(%dma_wait3A_25 : memref<20000x128xf32, #tpu.memory_space<hbm>>) dst(%arg9 : memref<128x128xf32, #tpu.memory_space<vmem>>)
      "tpu.region"() ({
        %run_scoped3A = tpu.sem_alloc : memref<!tpu.dma_semaphore, #tpu.memory_space<semaphore_mem>>
        %dma_start3A_26 = arith.constant 0 : i32
        %dma_start3A_27 = tpu.memref_slice %arg8[%scan3A_15, %dma_start3A_26] : memref<79x128xi32, #tpu.memory_space<vmem>> -> memref<1x128xi32, #tpu.memory_space<vmem>>
        %dma_start3A_28 = tpu.memref_squeeze %dma_start3A_27 : memref<1x128xi32, #tpu.memory_space<vmem>> -> memref<128xi32, #tpu.memory_space<vmem>>
        %dma_start3A_29 = arith.constant 0 : i32
        %dma_start3A_30 = arith.constant 0 : i32
        %dma_start3A_31 = tpu.memref_slice %arg10[%dma_start3A_29, %dma_start3A_30] : memref<10112x128xf32, #tpu.memory_space<vmem_shared>> -> memref<10112x128xf32, #tpu.memory_space<vmem_shared>>
        tpu.enqueue_indirect_dma source(%arg9 : memref<128x128xf32, #tpu.memory_space<vmem>>) target(%dma_start3A_31 : memref<10112x128xf32, #tpu.memory_space<vmem_shared>>) offsets(%dma_start3A_28 : memref<128xi32, #tpu.memory_space<vmem>>) semaphore(%run_scoped3A : memref<!tpu.dma_semaphore, #tpu.memory_space<semaphore_mem>>) {add = true}
        %dma_wait3A_32 = arith.constant 0 : i32
        %dma_wait3A_33 = tpu.memref_slice %arg8[%scan3A_15, %dma_wait3A_32] : memref<79x128xi32, #tpu.memory_space<vmem>> -> memref<1x128xi32, #tpu.memory_space<vmem>>
        %dma_wait3A_34 = tpu.memref_squeeze %dma_wait3A_33 : memref<1x128xi32, #tpu.memory_space<vmem>> -> memref<128xi32, #tpu.memory_space<vmem>>
        %dma_wait3A_35 = arith.constant 0 : i32
        %dma_wait3A_36 = arith.constant 0 : i32
        %dma_wait3A_37 = tpu.memref_slice %arg10[%dma_wait3A_35, %dma_wait3A_36] : memref<10112x128xf32, #tpu.memory_space<vmem_shared>> -> memref<10112x128xf32, #tpu.memory_space<vmem_shared>>
        tpu.wait_indirect_dma semaphore(%run_scoped3A : memref<!tpu.dma_semaphore, #tpu.memory_space<semaphore_mem>>) src(%arg9 : memref<128x128xf32, #tpu.memory_space<vmem>>) dst(%dma_wait3A_37 : memref<10112x128xf32, #tpu.memory_space<vmem_shared>>)
        tpu.yield
      }) : () -> ()
    }
    %scan3A_7 = arith.constant 79 : i32
    %barrier3A_8 = arith.constant 0 : index
    tpu.barrier barrier_id(%barrier3A_8)
    %mul3A_9 = arith.constant 632 : i32
    %mul3A_10 = arith.muli %arg1, %mul3A_9 : i32
    %mul3A_11 = arith.constant 10112 : i32
    %mul3A_12 = arith.muli %arg0, %mul3A_11 : i32
    %mul3A_13 = arith.constant 632 : i32
    %mul3A_14 = arith.muli %arg1, %mul3A_13 : i32
    %add3A = arith.addi %mul3A_12, %mul3A_14 : i32
    "tpu.region"() ({
      %run_scoped3A = tpu.sem_alloc : memref<!tpu.dma_semaphore, #tpu.memory_space<semaphore_mem>>
      %dma_start3A = arith.constant 0 : i32
      %dma_start3A_15 = tpu.memref_slice %arg6[%add3A, %dma_start3A] : memref<20224x128xf32, #tpu.memory_space<hbm>> -> memref<632x128xf32, #tpu.memory_space<hbm>>
      %dma_start3A_16 = arith.constant 0 : i32
      %dma_start3A_17 = tpu.memref_slice %arg10[%mul3A_10, %dma_start3A_16] : memref<10112x128xf32, #tpu.memory_space<vmem_shared>> -> memref<632x128xf32, #tpu.memory_space<vmem_shared>>
      tpu.enqueue_dma source(%dma_start3A_17 : memref<632x128xf32, #tpu.memory_space<vmem_shared>>) target(%dma_start3A_15 : memref<632x128xf32, #tpu.memory_space<hbm>>) target_semaphore(%run_scoped3A : memref<!tpu.dma_semaphore, #tpu.memory_space<semaphore_mem>>)
      %dma_wait3A = arith.constant 0 : i32
      %dma_wait3A_18 = tpu.memref_slice %arg6[%add3A, %dma_wait3A] : memref<20224x128xf32, #tpu.memory_space<hbm>> -> memref<632x128xf32, #tpu.memory_space<hbm>>
      %dma_wait3A_19 = arith.constant 0 : i32
      %dma_wait3A_20 = tpu.memref_slice %arg10[%mul3A_10, %dma_wait3A_19] : memref<10112x128xf32, #tpu.memory_space<vmem_shared>> -> memref<632x128xf32, #tpu.memory_space<vmem_shared>>
      tpu.wait_dma2 semaphore(%run_scoped3A : memref<!tpu.dma_semaphore, #tpu.memory_space<semaphore_mem>>) src(%dma_wait3A_20 : memref<632x128xf32, #tpu.memory_space<vmem_shared>>) dst(%dma_wait3A_18 : memref<632x128xf32, #tpu.memory_space<hbm>>)
      tpu.yield
    }) : () -> ()
    return
  }
}

#map = affine_map<(d0, d1) -> (0, 0)>
#map1 = affine_map<(d0, d1) -> (0, 0, 0, 0)>
#map2 = affine_map<(d0, d1) -> (0, 0, 0)>
module attributes {stable_mosaic.version = 14 : i64} {
  func.func @_prop_body(%arg0: i32, %arg1: i32, %arg2: memref<20000x128xf32, #tpu.memory_space<hbm>>, %arg3: memref<2x16x79x128xi32, #tpu.memory_space<hbm>>, %arg4: memref<16x79x128xi32, #tpu.memory_space<hbm>>, %arg5: memref<10112x128xf32, #tpu.memory_space<hbm>>, %arg6: memref<20224x128xf32, #tpu.memory_space<hbm>>, %arg7: memref<79x128xi32, #tpu.memory_space<vmem>>, %arg8: memref<79x128xi32, #tpu.memory_space<vmem>>, %arg9: memref<128x128xf32, #tpu.memory_space<vmem>>, %arg10: memref<10112x128xf32, #tpu.memory_space<vmem_shared>>, %arg11: memref<!tpu.dma_semaphore, #tpu.memory_space<semaphore_mem>>) attributes {dimension_semantics = [#tpu.dimension_semantics<core_parallel>, #tpu.dimension_semantics<subcore_parallel>], iteration_bounds = array<i64: 2, 16>, scalar_prefetch = 0 : i64, scratch_operands = 5 : i64, tpu.core_type = #tpu.core_type<sc_vector_subcore>, window_params = [{transform_indices = #map}, {transform_indices = #map1}, {transform_indices = #map2}, {transform_indices = #map}, {transform_indices = #map}]} {
    %mul3A = arith.constant 632 : i32
    %mul3A_0 = arith.muli %arg1, %mul3A : i32
    %mul3A_1 = arith.constant 632 : i32
    %mul3A_2 = arith.muli %arg1, %mul3A_1 : i32
    "tpu.region"() ({
      %run_scoped3A = tpu.sem_alloc : memref<!tpu.dma_semaphore, #tpu.memory_space<semaphore_mem>>
      %dma_start3A = arith.constant 0 : i32
      %dma_start3A_15 = tpu.memref_slice %arg10[%mul3A_2, %dma_start3A] : memref<10112x128xf32, #tpu.memory_space<vmem_shared>> -> memref<632x128xf32, #tpu.memory_space<vmem_shared>>
      %dma_start3A_16 = arith.constant 0 : i32
      %dma_start3A_17 = tpu.memref_slice %arg5[%mul3A_0, %dma_start3A_16] : memref<10112x128xf32, #tpu.memory_space<hbm>> -> memref<632x128xf32, #tpu.memory_space<hbm>>
      tpu.enqueue_dma source(%dma_start3A_17 : memref<632x128xf32, #tpu.memory_space<hbm>>) target(%dma_start3A_15 : memref<632x128xf32, #tpu.memory_space<vmem_shared>>) target_semaphore(%run_scoped3A : memref<!tpu.dma_semaphore, #tpu.memory_space<semaphore_mem>>)
      %dma_wait3A = arith.constant 0 : i32
      %dma_wait3A_18 = tpu.memref_slice %arg10[%mul3A_2, %dma_wait3A] : memref<10112x128xf32, #tpu.memory_space<vmem_shared>> -> memref<632x128xf32, #tpu.memory_space<vmem_shared>>
      %dma_wait3A_19 = arith.constant 0 : i32
      %dma_wait3A_20 = tpu.memref_slice %arg5[%mul3A_0, %dma_wait3A_19] : memref<10112x128xf32, #tpu.memory_space<hbm>> -> memref<632x128xf32, #tpu.memory_space<hbm>>
      tpu.wait_dma2 semaphore(%run_scoped3A : memref<!tpu.dma_semaphore, #tpu.memory_space<semaphore_mem>>) src(%dma_wait3A_20 : memref<632x128xf32, #tpu.memory_space<hbm>>) dst(%dma_wait3A_18 : memref<632x128xf32, #tpu.memory_space<vmem_shared>>)
      tpu.yield
    }) : () -> ()
    "tpu.region"() ({
      %run_scoped3A = tpu.sem_alloc : memref<!tpu.dma_semaphore, #tpu.memory_space<semaphore_mem>>
      %dma_start3A = arith.constant 0 : i32
      %dma_start3A_15 = arith.constant 0 : i32
      %dma_start3A_16 = tpu.memref_slice %arg3[%arg0, %arg1, %dma_start3A, %dma_start3A_15] : memref<2x16x79x128xi32, #tpu.memory_space<hbm>> -> memref<1x1x79x128xi32, #tpu.memory_space<hbm>>
      %dma_start3A_17 = tpu.memref_squeeze %dma_start3A_16 : memref<1x1x79x128xi32, #tpu.memory_space<hbm>> -> memref<79x128xi32, #tpu.memory_space<hbm>>
      %dma_start3A_18 = arith.constant 0 : i32
      %dma_start3A_19 = arith.constant 0 : i32
      %dma_start3A_20 = tpu.memref_slice %arg3[%arg0, %arg1, %dma_start3A_18, %dma_start3A_19] : memref<2x16x79x128xi32, #tpu.memory_space<hbm>> -> memref<1x1x79x128xi32, #tpu.memory_space<hbm>>
      %dma_start3A_21 = tpu.memref_squeeze %dma_start3A_20 : memref<1x1x79x128xi32, #tpu.memory_space<hbm>> -> memref<79x128xi32, #tpu.memory_space<hbm>>
      tpu.enqueue_dma source(%dma_start3A_21 : memref<79x128xi32, #tpu.memory_space<hbm>>) target(%arg7 : memref<79x128xi32, #tpu.memory_space<vmem>>) target_semaphore(%run_scoped3A : memref<!tpu.dma_semaphore, #tpu.memory_space<semaphore_mem>>)
      %dma_wait3A = arith.constant 0 : i32
      %dma_wait3A_22 = arith.constant 0 : i32
      %dma_wait3A_23 = tpu.memref_slice %arg3[%arg0, %arg1, %dma_wait3A, %dma_wait3A_22] : memref<2x16x79x128xi32, #tpu.memory_space<hbm>> -> memref<1x1x79x128xi32, #tpu.memory_space<hbm>>
      %dma_wait3A_24 = tpu.memref_squeeze %dma_wait3A_23 : memref<1x1x79x128xi32, #tpu.memory_space<hbm>> -> memref<79x128xi32, #tpu.memory_space<hbm>>
      %dma_wait3A_25 = arith.constant 0 : i32
      %dma_wait3A_26 = arith.constant 0 : i32
      %dma_wait3A_27 = tpu.memref_slice %arg3[%arg0, %arg1, %dma_wait3A_25, %dma_wait3A_26] : memref<2x16x79x128xi32, #tpu.memory_space<hbm>> -> memref<1x1x79x128xi32, #tpu.memory_space<hbm>>
      %dma_wait3A_28 = tpu.memref_squeeze %dma_wait3A_27 : memref<1x1x79x128xi32, #tpu.memory_space<hbm>> -> memref<79x128xi32, #tpu.memory_space<hbm>>
      tpu.wait_dma2 semaphore(%run_scoped3A : memref<!tpu.dma_semaphore, #tpu.memory_space<semaphore_mem>>) src(%dma_wait3A_28 : memref<79x128xi32, #tpu.memory_space<hbm>>) dst(%arg7 : memref<79x128xi32, #tpu.memory_space<vmem>>)
      tpu.yield
    }) : () -> ()
    "tpu.region"() ({
      %run_scoped3A = tpu.sem_alloc : memref<!tpu.dma_semaphore, #tpu.memory_space<semaphore_mem>>
      %dma_start3A = arith.constant 0 : i32
      %dma_start3A_15 = arith.constant 0 : i32
      %dma_start3A_16 = tpu.memref_slice %arg4[%arg1, %dma_start3A, %dma_start3A_15] : memref<16x79x128xi32, #tpu.memory_space<hbm>> -> memref<1x79x128xi32, #tpu.memory_space<hbm>>
      %dma_start3A_17 = tpu.memref_squeeze %dma_start3A_16 : memref<1x79x128xi32, #tpu.memory_space<hbm>> -> memref<79x128xi32, #tpu.memory_space<hbm>>
      %dma_start3A_18 = arith.constant 0 : i32
      %dma_start3A_19 = arith.constant 0 : i32
      %dma_start3A_20 = tpu.memref_slice %arg4[%arg1, %dma_start3A_18, %dma_start3A_19] : memref<16x79x128xi32, #tpu.memory_space<hbm>> -> memref<1x79x128xi32, #tpu.memory_space<hbm>>
      %dma_start3A_21 = tpu.memref_squeeze %dma_start3A_20 : memref<1x79x128xi32, #tpu.memory_space<hbm>> -> memref<79x128xi32, #tpu.memory_space<hbm>>
      tpu.enqueue_dma source(%dma_start3A_21 : memref<79x128xi32, #tpu.memory_space<hbm>>) target(%arg8 : memref<79x128xi32, #tpu.memory_space<vmem>>) target_semaphore(%run_scoped3A : memref<!tpu.dma_semaphore, #tpu.memory_space<semaphore_mem>>)
      %dma_wait3A = arith.constant 0 : i32
      %dma_wait3A_22 = arith.constant 0 : i32
      %dma_wait3A_23 = tpu.memref_slice %arg4[%arg1, %dma_wait3A, %dma_wait3A_22] : memref<16x79x128xi32, #tpu.memory_space<hbm>> -> memref<1x79x128xi32, #tpu.memory_space<hbm>>
      %dma_wait3A_24 = tpu.memref_squeeze %dma_wait3A_23 : memref<1x79x128xi32, #tpu.memory_space<hbm>> -> memref<79x128xi32, #tpu.memory_space<hbm>>
      %dma_wait3A_25 = arith.constant 0 : i32
      %dma_wait3A_26 = arith.constant 0 : i32
      %dma_wait3A_27 = tpu.memref_slice %arg4[%arg1, %dma_wait3A_25, %dma_wait3A_26] : memref<16x79x128xi32, #tpu.memory_space<hbm>> -> memref<1x79x128xi32, #tpu.memory_space<hbm>>
      %dma_wait3A_28 = tpu.memref_squeeze %dma_wait3A_27 : memref<1x79x128xi32, #tpu.memory_space<hbm>> -> memref<79x128xi32, #tpu.memory_space<hbm>>
      tpu.wait_dma2 semaphore(%run_scoped3A : memref<!tpu.dma_semaphore, #tpu.memory_space<semaphore_mem>>) src(%dma_wait3A_28 : memref<79x128xi32, #tpu.memory_space<hbm>>) dst(%arg8 : memref<79x128xi32, #tpu.memory_space<vmem>>)
      tpu.yield
    }) : () -> ()
    %barrier3A = arith.constant 0 : index
    tpu.barrier barrier_id(%barrier3A)
    %scan3A = arith.constant 0 : i32
    %scan3A_3 = arith.constant 0 : i32
    %scan3A_4 = arith.constant 79 : i32
    %scan3A_5 = arith.addi %scan3A_3, %scan3A_4 : i32
    %scan3A_6 = arith.constant 1 : i32
    scf.for %scan3A_15 = %scan3A_3 to %scan3A_5 step %scan3A_6  : i32 {
      %dma_start3A = arith.constant 0 : i32
      %dma_start3A_16 = tpu.memref_slice %arg7[%scan3A_15, %dma_start3A] : memref<79x128xi32, #tpu.memory_space<vmem>> -> memref<1x128xi32, #tpu.memory_space<vmem>>
      %dma_start3A_17 = tpu.memref_squeeze %dma_start3A_16 : memref<1x128xi32, #tpu.memory_space<vmem>> -> memref<128xi32, #tpu.memory_space<vmem>>
      %dma_start3A_18 = arith.constant 0 : i32
      %dma_start3A_19 = arith.constant 0 : i32
      %dma_start3A_20 = tpu.memref_slice %arg2[%dma_start3A_18, %dma_start3A_19] : memref<20000x128xf32, #tpu.memory_space<hbm>> -> memref<20000x128xf32, #tpu.memory_space<hbm>>
      tpu.enqueue_indirect_dma source(%dma_start3A_20 : memref<20000x128xf32, #tpu.memory_space<hbm>>) target(%arg9 : memref<128x128xf32, #tpu.memory_space<vmem>>) offsets(%dma_start3A_17 : memref<128xi32, #tpu.memory_space<vmem>>) semaphore(%arg11 : memref<!tpu.dma_semaphore, #tpu.memory_space<semaphore_mem>>)
      %dma_wait3A = arith.constant 0 : i32
      %dma_wait3A_21 = tpu.memref_slice %arg7[%scan3A_15, %dma_wait3A] : memref<79x128xi32, #tpu.memory_space<vmem>> -> memref<1x128xi32, #tpu.memory_space<vmem>>
      %dma_wait3A_22 = tpu.memref_squeeze %dma_wait3A_21 : memref<1x128xi32, #tpu.memory_space<vmem>> -> memref<128xi32, #tpu.memory_space<vmem>>
      %dma_wait3A_23 = arith.constant 0 : i32
      %dma_wait3A_24 = arith.constant 0 : i32
      %dma_wait3A_25 = tpu.memref_slice %arg2[%dma_wait3A_23, %dma_wait3A_24] : memref<20000x128xf32, #tpu.memory_space<hbm>> -> memref<20000x128xf32, #tpu.memory_space<hbm>>
      tpu.wait_indirect_dma semaphore(%arg11 : memref<!tpu.dma_semaphore, #tpu.memory_space<semaphore_mem>>) src(%dma_wait3A_25 : memref<20000x128xf32, #tpu.memory_space<hbm>>) dst(%arg9 : memref<128x128xf32, #tpu.memory_space<vmem>>)
      "tpu.region"() ({
        %run_scoped3A = tpu.sem_alloc : memref<!tpu.dma_semaphore, #tpu.memory_space<semaphore_mem>>
        %dma_start3A_26 = arith.constant 0 : i32
        %dma_start3A_27 = tpu.memref_slice %arg8[%scan3A_15, %dma_start3A_26] : memref<79x128xi32, #tpu.memory_space<vmem>> -> memref<1x128xi32, #tpu.memory_space<vmem>>
        %dma_start3A_28 = tpu.memref_squeeze %dma_start3A_27 : memref<1x128xi32, #tpu.memory_space<vmem>> -> memref<128xi32, #tpu.memory_space<vmem>>
        %dma_start3A_29 = arith.constant 0 : i32
        %dma_start3A_30 = arith.constant 0 : i32
        %dma_start3A_31 = tpu.memref_slice %arg10[%dma_start3A_29, %dma_start3A_30] : memref<10112x128xf32, #tpu.memory_space<vmem_shared>> -> memref<10112x128xf32, #tpu.memory_space<vmem_shared>>
        tpu.enqueue_indirect_dma source(%arg9 : memref<128x128xf32, #tpu.memory_space<vmem>>) target(%dma_start3A_31 : memref<10112x128xf32, #tpu.memory_space<vmem_shared>>) offsets(%dma_start3A_28 : memref<128xi32, #tpu.memory_space<vmem>>) semaphore(%run_scoped3A : memref<!tpu.dma_semaphore, #tpu.memory_space<semaphore_mem>>) {add = true}
        %dma_wait3A_32 = arith.constant 0 : i32
        %dma_wait3A_33 = tpu.memref_slice %arg8[%scan3A_15, %dma_wait3A_32] : memref<79x128xi32, #tpu.memory_space<vmem>> -> memref<1x128xi32, #tpu.memory_space<vmem>>
        %dma_wait3A_34 = tpu.memref_squeeze %dma_wait3A_33 : memref<1x128xi32, #tpu.memory_space<vmem>> -> memref<128xi32, #tpu.memory_space<vmem>>
        %dma_wait3A_35 = arith.constant 0 : i32
        %dma_wait3A_36 = arith.constant 0 : i32
        %dma_wait3A_37 = tpu.memref_slice %arg10[%dma_wait3A_35, %dma_wait3A_36] : memref<10112x128xf32, #tpu.memory_space<vmem_shared>> -> memref<10112x128xf32, #tpu.memory_space<vmem_shared>>
        tpu.wait_indirect_dma semaphore(%run_scoped3A : memref<!tpu.dma_semaphore, #tpu.memory_space<semaphore_mem>>) src(%arg9 : memref<128x128xf32, #tpu.memory_space<vmem>>) dst(%dma_wait3A_37 : memref<10112x128xf32, #tpu.memory_space<vmem_shared>>)
        tpu.yield
      }) : () -> ()
    }
    %scan3A_7 = arith.constant 79 : i32
    %barrier3A_8 = arith.constant 0 : index
    tpu.barrier barrier_id(%barrier3A_8)
    %mul3A_9 = arith.constant 632 : i32
    %mul3A_10 = arith.muli %arg1, %mul3A_9 : i32
    %mul3A_11 = arith.constant 10112 : i32
    %mul3A_12 = arith.muli %arg0, %mul3A_11 : i32
    %mul3A_13 = arith.constant 632 : i32
    %mul3A_14 = arith.muli %arg1, %mul3A_13 : i32
    %add3A = arith.addi %mul3A_12, %mul3A_14 : i32
    "tpu.region"() ({
      %run_scoped3A = tpu.sem_alloc : memref<!tpu.dma_semaphore, #tpu.memory_space<semaphore_mem>>
      %dma_start3A = arith.constant 0 : i32
      %dma_start3A_15 = tpu.memref_slice %arg6[%add3A, %dma_start3A] : memref<20224x128xf32, #tpu.memory_space<hbm>> -> memref<632x128xf32, #tpu.memory_space<hbm>>
      %dma_start3A_16 = arith.constant 0 : i32
      %dma_start3A_17 = tpu.memref_slice %arg10[%mul3A_10, %dma_start3A_16] : memref<10112x128xf32, #tpu.memory_space<vmem_shared>> -> memref<632x128xf32, #tpu.memory_space<vmem_shared>>
      tpu.enqueue_dma source(%dma_start3A_17 : memref<632x128xf32, #tpu.memory_space<vmem_shared>>) target(%dma_start3A_15 : memref<632x128xf32, #tpu.memory_space<hbm>>) target_semaphore(%run_scoped3A : memref<!tpu.dma_semaphore, #tpu.memory_space<semaphore_mem>>)
      %dma_wait3A = arith.constant 0 : i32
      %dma_wait3A_18 = tpu.memref_slice %arg6[%add3A, %dma_wait3A] : memref<20224x128xf32, #tpu.memory_space<hbm>> -> memref<632x128xf32, #tpu.memory_space<hbm>>
      %dma_wait3A_19 = arith.constant 0 : i32
      %dma_wait3A_20 = tpu.memref_slice %arg10[%mul3A_10, %dma_wait3A_19] : memref<10112x128xf32, #tpu.memory_space<vmem_shared>> -> memref<632x128xf32, #tpu.memory_space<vmem_shared>>
      tpu.wait_dma2 semaphore(%run_scoped3A : memref<!tpu.dma_semaphore, #tpu.memory_space<semaphore_mem>>) src(%dma_wait3A_20 : memref<632x128xf32, #tpu.memory_space<vmem_shared>>) dst(%dma_wait3A_18 : memref<632x128xf32, #tpu.memory_space<hbm>>)
      tpu.yield
    }) : () -> ()
    return
  }
}

#map = affine_map<(d0, d1) -> (0, 0)>
#map1 = affine_map<(d0, d1) -> (0, 0, 0, 0)>
#map2 = affine_map<(d0, d1) -> (0, 0, 0)>
module attributes {stable_mosaic.version = 14 : i64} {
  func.func @_prop_body(%arg0: i32, %arg1: i32, %arg2: memref<20000x128xf32, #tpu.memory_space<hbm>>, %arg3: memref<2x16x79x128xi32, #tpu.memory_space<hbm>>, %arg4: memref<16x79x128xi32, #tpu.memory_space<hbm>>, %arg5: memref<10112x128xf32, #tpu.memory_space<hbm>>, %arg6: memref<20224x128xf32, #tpu.memory_space<hbm>>, %arg7: memref<79x128xi32, #tpu.memory_space<vmem>>, %arg8: memref<79x128xi32, #tpu.memory_space<vmem>>, %arg9: memref<128x128xf32, #tpu.memory_space<vmem>>, %arg10: memref<10112x128xf32, #tpu.memory_space<vmem_shared>>, %arg11: memref<!tpu.dma_semaphore, #tpu.memory_space<semaphore_mem>>) attributes {dimension_semantics = [#tpu.dimension_semantics<core_parallel>, #tpu.dimension_semantics<subcore_parallel>], iteration_bounds = array<i64: 2, 16>, scalar_prefetch = 0 : i64, scratch_operands = 5 : i64, tpu.core_type = #tpu.core_type<sc_vector_subcore>, window_params = [{transform_indices = #map}, {transform_indices = #map1}, {transform_indices = #map2}, {transform_indices = #map}, {transform_indices = #map}]} {
    %mul3A = arith.constant 632 : i32
    %mul3A_0 = arith.muli %arg1, %mul3A : i32
    %mul3A_1 = arith.constant 632 : i32
    %mul3A_2 = arith.muli %arg1, %mul3A_1 : i32
    "tpu.region"() ({
      %run_scoped3A = tpu.sem_alloc : memref<!tpu.dma_semaphore, #tpu.memory_space<semaphore_mem>>
      %dma_start3A = arith.constant 0 : i32
      %dma_start3A_15 = tpu.memref_slice %arg10[%mul3A_2, %dma_start3A] : memref<10112x128xf32, #tpu.memory_space<vmem_shared>> -> memref<632x128xf32, #tpu.memory_space<vmem_shared>>
      %dma_start3A_16 = arith.constant 0 : i32
      %dma_start3A_17 = tpu.memref_slice %arg5[%mul3A_0, %dma_start3A_16] : memref<10112x128xf32, #tpu.memory_space<hbm>> -> memref<632x128xf32, #tpu.memory_space<hbm>>
      tpu.enqueue_dma source(%dma_start3A_17 : memref<632x128xf32, #tpu.memory_space<hbm>>) target(%dma_start3A_15 : memref<632x128xf32, #tpu.memory_space<vmem_shared>>) target_semaphore(%run_scoped3A : memref<!tpu.dma_semaphore, #tpu.memory_space<semaphore_mem>>)
      %dma_wait3A = arith.constant 0 : i32
      %dma_wait3A_18 = tpu.memref_slice %arg10[%mul3A_2, %dma_wait3A] : memref<10112x128xf32, #tpu.memory_space<vmem_shared>> -> memref<632x128xf32, #tpu.memory_space<vmem_shared>>
      %dma_wait3A_19 = arith.constant 0 : i32
      %dma_wait3A_20 = tpu.memref_slice %arg5[%mul3A_0, %dma_wait3A_19] : memref<10112x128xf32, #tpu.memory_space<hbm>> -> memref<632x128xf32, #tpu.memory_space<hbm>>
      tpu.wait_dma2 semaphore(%run_scoped3A : memref<!tpu.dma_semaphore, #tpu.memory_space<semaphore_mem>>) src(%dma_wait3A_20 : memref<632x128xf32, #tpu.memory_space<hbm>>) dst(%dma_wait3A_18 : memref<632x128xf32, #tpu.memory_space<vmem_shared>>)
      tpu.yield
    }) : () -> ()
    "tpu.region"() ({
      %run_scoped3A = tpu.sem_alloc : memref<!tpu.dma_semaphore, #tpu.memory_space<semaphore_mem>>
      %dma_start3A = arith.constant 0 : i32
      %dma_start3A_15 = arith.constant 0 : i32
      %dma_start3A_16 = tpu.memref_slice %arg3[%arg0, %arg1, %dma_start3A, %dma_start3A_15] : memref<2x16x79x128xi32, #tpu.memory_space<hbm>> -> memref<1x1x79x128xi32, #tpu.memory_space<hbm>>
      %dma_start3A_17 = tpu.memref_squeeze %dma_start3A_16 : memref<1x1x79x128xi32, #tpu.memory_space<hbm>> -> memref<79x128xi32, #tpu.memory_space<hbm>>
      %dma_start3A_18 = arith.constant 0 : i32
      %dma_start3A_19 = arith.constant 0 : i32
      %dma_start3A_20 = tpu.memref_slice %arg3[%arg0, %arg1, %dma_start3A_18, %dma_start3A_19] : memref<2x16x79x128xi32, #tpu.memory_space<hbm>> -> memref<1x1x79x128xi32, #tpu.memory_space<hbm>>
      %dma_start3A_21 = tpu.memref_squeeze %dma_start3A_20 : memref<1x1x79x128xi32, #tpu.memory_space<hbm>> -> memref<79x128xi32, #tpu.memory_space<hbm>>
      tpu.enqueue_dma source(%dma_start3A_21 : memref<79x128xi32, #tpu.memory_space<hbm>>) target(%arg7 : memref<79x128xi32, #tpu.memory_space<vmem>>) target_semaphore(%run_scoped3A : memref<!tpu.dma_semaphore, #tpu.memory_space<semaphore_mem>>)
      %dma_wait3A = arith.constant 0 : i32
      %dma_wait3A_22 = arith.constant 0 : i32
      %dma_wait3A_23 = tpu.memref_slice %arg3[%arg0, %arg1, %dma_wait3A, %dma_wait3A_22] : memref<2x16x79x128xi32, #tpu.memory_space<hbm>> -> memref<1x1x79x128xi32, #tpu.memory_space<hbm>>
      %dma_wait3A_24 = tpu.memref_squeeze %dma_wait3A_23 : memref<1x1x79x128xi32, #tpu.memory_space<hbm>> -> memref<79x128xi32, #tpu.memory_space<hbm>>
      %dma_wait3A_25 = arith.constant 0 : i32
      %dma_wait3A_26 = arith.constant 0 : i32
      %dma_wait3A_27 = tpu.memref_slice %arg3[%arg0, %arg1, %dma_wait3A_25, %dma_wait3A_26] : memref<2x16x79x128xi32, #tpu.memory_space<hbm>> -> memref<1x1x79x128xi32, #tpu.memory_space<hbm>>
      %dma_wait3A_28 = tpu.memref_squeeze %dma_wait3A_27 : memref<1x1x79x128xi32, #tpu.memory_space<hbm>> -> memref<79x128xi32, #tpu.memory_space<hbm>>
      tpu.wait_dma2 semaphore(%run_scoped3A : memref<!tpu.dma_semaphore, #tpu.memory_space<semaphore_mem>>) src(%dma_wait3A_28 : memref<79x128xi32, #tpu.memory_space<hbm>>) dst(%arg7 : memref<79x128xi32, #tpu.memory_space<vmem>>)
      tpu.yield
    }) : () -> ()
    "tpu.region"() ({
      %run_scoped3A = tpu.sem_alloc : memref<!tpu.dma_semaphore, #tpu.memory_space<semaphore_mem>>
      %dma_start3A = arith.constant 0 : i32
      %dma_start3A_15 = arith.constant 0 : i32
      %dma_start3A_16 = tpu.memref_slice %arg4[%arg1, %dma_start3A, %dma_start3A_15] : memref<16x79x128xi32, #tpu.memory_space<hbm>> -> memref<1x79x128xi32, #tpu.memory_space<hbm>>
      %dma_start3A_17 = tpu.memref_squeeze %dma_start3A_16 : memref<1x79x128xi32, #tpu.memory_space<hbm>> -> memref<79x128xi32, #tpu.memory_space<hbm>>
      %dma_start3A_18 = arith.constant 0 : i32
      %dma_start3A_19 = arith.constant 0 : i32
      %dma_start3A_20 = tpu.memref_slice %arg4[%arg1, %dma_start3A_18, %dma_start3A_19] : memref<16x79x128xi32, #tpu.memory_space<hbm>> -> memref<1x79x128xi32, #tpu.memory_space<hbm>>
      %dma_start3A_21 = tpu.memref_squeeze %dma_start3A_20 : memref<1x79x128xi32, #tpu.memory_space<hbm>> -> memref<79x128xi32, #tpu.memory_space<hbm>>
      tpu.enqueue_dma source(%dma_start3A_21 : memref<79x128xi32, #tpu.memory_space<hbm>>) target(%arg8 : memref<79x128xi32, #tpu.memory_space<vmem>>) target_semaphore(%run_scoped3A : memref<!tpu.dma_semaphore, #tpu.memory_space<semaphore_mem>>)
      %dma_wait3A = arith.constant 0 : i32
      %dma_wait3A_22 = arith.constant 0 : i32
      %dma_wait3A_23 = tpu.memref_slice %arg4[%arg1, %dma_wait3A, %dma_wait3A_22] : memref<16x79x128xi32, #tpu.memory_space<hbm>> -> memref<1x79x128xi32, #tpu.memory_space<hbm>>
      %dma_wait3A_24 = tpu.memref_squeeze %dma_wait3A_23 : memref<1x79x128xi32, #tpu.memory_space<hbm>> -> memref<79x128xi32, #tpu.memory_space<hbm>>
      %dma_wait3A_25 = arith.constant 0 : i32
      %dma_wait3A_26 = arith.constant 0 : i32
      %dma_wait3A_27 = tpu.memref_slice %arg4[%arg1, %dma_wait3A_25, %dma_wait3A_26] : memref<16x79x128xi32, #tpu.memory_space<hbm>> -> memref<1x79x128xi32, #tpu.memory_space<hbm>>
      %dma_wait3A_28 = tpu.memref_squeeze %dma_wait3A_27 : memref<1x79x128xi32, #tpu.memory_space<hbm>> -> memref<79x128xi32, #tpu.memory_space<hbm>>
      tpu.wait_dma2 semaphore(%run_scoped3A : memref<!tpu.dma_semaphore, #tpu.memory_space<semaphore_mem>>) src(%dma_wait3A_28 : memref<79x128xi32, #tpu.memory_space<hbm>>) dst(%arg8 : memref<79x128xi32, #tpu.memory_space<vmem>>)
      tpu.yield
    }) : () -> ()
    %barrier3A = arith.constant 0 : index
    tpu.barrier barrier_id(%barrier3A)
    %scan3A = arith.constant 0 : i32
    %scan3A_3 = arith.constant 0 : i32
    %scan3A_4 = arith.constant 79 : i32
    %scan3A_5 = arith.addi %scan3A_3, %scan3A_4 : i32
    %scan3A_6 = arith.constant 1 : i32
    scf.for %scan3A_15 = %scan3A_3 to %scan3A_5 step %scan3A_6  : i32 {
      %dma_start3A = arith.constant 0 : i32
      %dma_start3A_16 = tpu.memref_slice %arg7[%scan3A_15, %dma_start3A] : memref<79x128xi32, #tpu.memory_space<vmem>> -> memref<1x128xi32, #tpu.memory_space<vmem>>
      %dma_start3A_17 = tpu.memref_squeeze %dma_start3A_16 : memref<1x128xi32, #tpu.memory_space<vmem>> -> memref<128xi32, #tpu.memory_space<vmem>>
      %dma_start3A_18 = arith.constant 0 : i32
      %dma_start3A_19 = arith.constant 0 : i32
      %dma_start3A_20 = tpu.memref_slice %arg2[%dma_start3A_18, %dma_start3A_19] : memref<20000x128xf32, #tpu.memory_space<hbm>> -> memref<20000x128xf32, #tpu.memory_space<hbm>>
      tpu.enqueue_indirect_dma source(%dma_start3A_20 : memref<20000x128xf32, #tpu.memory_space<hbm>>) target(%arg9 : memref<128x128xf32, #tpu.memory_space<vmem>>) offsets(%dma_start3A_17 : memref<128xi32, #tpu.memory_space<vmem>>) semaphore(%arg11 : memref<!tpu.dma_semaphore, #tpu.memory_space<semaphore_mem>>)
      %dma_wait3A = arith.constant 0 : i32
      %dma_wait3A_21 = tpu.memref_slice %arg7[%scan3A_15, %dma_wait3A] : memref<79x128xi32, #tpu.memory_space<vmem>> -> memref<1x128xi32, #tpu.memory_space<vmem>>
      %dma_wait3A_22 = tpu.memref_squeeze %dma_wait3A_21 : memref<1x128xi32, #tpu.memory_space<vmem>> -> memref<128xi32, #tpu.memory_space<vmem>>
      %dma_wait3A_23 = arith.constant 0 : i32
      %dma_wait3A_24 = arith.constant 0 : i32
      %dma_wait3A_25 = tpu.memref_slice %arg2[%dma_wait3A_23, %dma_wait3A_24] : memref<20000x128xf32, #tpu.memory_space<hbm>> -> memref<20000x128xf32, #tpu.memory_space<hbm>>
      tpu.wait_indirect_dma semaphore(%arg11 : memref<!tpu.dma_semaphore, #tpu.memory_space<semaphore_mem>>) src(%dma_wait3A_25 : memref<20000x128xf32, #tpu.memory_space<hbm>>) dst(%arg9 : memref<128x128xf32, #tpu.memory_space<vmem>>)
      "tpu.region"() ({
        %run_scoped3A = tpu.sem_alloc : memref<!tpu.dma_semaphore, #tpu.memory_space<semaphore_mem>>
        %dma_start3A_26 = arith.constant 0 : i32
        %dma_start3A_27 = tpu.memref_slice %arg8[%scan3A_15, %dma_start3A_26] : memref<79x128xi32, #tpu.memory_space<vmem>> -> memref<1x128xi32, #tpu.memory_space<vmem>>
        %dma_start3A_28 = tpu.memref_squeeze %dma_start3A_27 : memref<1x128xi32, #tpu.memory_space<vmem>> -> memref<128xi32, #tpu.memory_space<vmem>>
        %dma_start3A_29 = arith.constant 0 : i32
        %dma_start3A_30 = arith.constant 0 : i32
        %dma_start3A_31 = tpu.memref_slice %arg10[%dma_start3A_29, %dma_start3A_30] : memref<10112x128xf32, #tpu.memory_space<vmem_shared>> -> memref<10112x128xf32, #tpu.memory_space<vmem_shared>>
        tpu.enqueue_indirect_dma source(%arg9 : memref<128x128xf32, #tpu.memory_space<vmem>>) target(%dma_start3A_31 : memref<10112x128xf32, #tpu.memory_space<vmem_shared>>) offsets(%dma_start3A_28 : memref<128xi32, #tpu.memory_space<vmem>>) semaphore(%run_scoped3A : memref<!tpu.dma_semaphore, #tpu.memory_space<semaphore_mem>>) {add = true}
        %dma_wait3A_32 = arith.constant 0 : i32
        %dma_wait3A_33 = tpu.memref_slice %arg8[%scan3A_15, %dma_wait3A_32] : memref<79x128xi32, #tpu.memory_space<vmem>> -> memref<1x128xi32, #tpu.memory_space<vmem>>
        %dma_wait3A_34 = tpu.memref_squeeze %dma_wait3A_33 : memref<1x128xi32, #tpu.memory_space<vmem>> -> memref<128xi32, #tpu.memory_space<vmem>>
        %dma_wait3A_35 = arith.constant 0 : i32
        %dma_wait3A_36 = arith.constant 0 : i32
        %dma_wait3A_37 = tpu.memref_slice %arg10[%dma_wait3A_35, %dma_wait3A_36] : memref<10112x128xf32, #tpu.memory_space<vmem_shared>> -> memref<10112x128xf32, #tpu.memory_space<vmem_shared>>
        tpu.wait_indirect_dma semaphore(%run_scoped3A : memref<!tpu.dma_semaphore, #tpu.memory_space<semaphore_mem>>) src(%arg9 : memref<128x128xf32, #tpu.memory_space<vmem>>) dst(%dma_wait3A_37 : memref<10112x128xf32, #tpu.memory_space<vmem_shared>>)
        tpu.yield
      }) : () -> ()
    }
    %scan3A_7 = arith.constant 79 : i32
    %barrier3A_8 = arith.constant 0 : index
    tpu.barrier barrier_id(%barrier3A_8)
    %mul3A_9 = arith.constant 632 : i32
    %mul3A_10 = arith.muli %arg1, %mul3A_9 : i32
    %mul3A_11 = arith.constant 10112 : i32
    %mul3A_12 = arith.muli %arg0, %mul3A_11 : i32
    %mul3A_13 = arith.constant 632 : i32
    %mul3A_14 = arith.muli %arg1, %mul3A_13 : i32
    %add3A = arith.addi %mul3A_12, %mul3A_14 : i32
    "tpu.region"() ({
      %run_scoped3A = tpu.sem_alloc : memref<!tpu.dma_semaphore, #tpu.memory_space<semaphore_mem>>
      %dma_start3A = arith.constant 0 : i32
      %dma_start3A_15 = tpu.memref_slice %arg6[%add3A, %dma_start3A] : memref<20224x128xf32, #tpu.memory_space<hbm>> -> memref<632x128xf32, #tpu.memory_space<hbm>>
      %dma_start3A_16 = arith.constant 0 : i32
      %dma_start3A_17 = tpu.memref_slice %arg10[%mul3A_10, %dma_start3A_16] : memref<10112x128xf32, #tpu.memory_space<vmem_shared>> -> memref<632x128xf32, #tpu.memory_space<vmem_shared>>
      tpu.enqueue_dma source(%dma_start3A_17 : memref<632x128xf32, #tpu.memory_space<vmem_shared>>) target(%dma_start3A_15 : memref<632x128xf32, #tpu.memory_space<hbm>>) target_semaphore(%run_scoped3A : memref<!tpu.dma_semaphore, #tpu.memory_space<semaphore_mem>>)
      %dma_wait3A = arith.constant 0 : i32
      %dma_wait3A_18 = tpu.memref_slice %arg6[%add3A, %dma_wait3A] : memref<20224x128xf32, #tpu.memory_space<hbm>> -> memref<632x128xf32, #tpu.memory_space<hbm>>
      %dma_wait3A_19 = arith.constant 0 : i32
      %dma_wait3A_20 = tpu.memref_slice %arg10[%mul3A_10, %dma_wait3A_19] : memref<10112x128xf32, #tpu.memory_space<vmem_shared>> -> memref<632x128xf32, #tpu.memory_space<vmem_shared>>
      tpu.wait_dma2 semaphore(%run_scoped3A : memref<!tpu.dma_semaphore, #tpu.memory_space<semaphore_mem>>) src(%dma_wait3A_20 : memref<632x128xf32, #tpu.memory_space<vmem_shared>>) dst(%dma_wait3A_18 : memref<632x128xf32, #tpu.memory_space<hbm>>)
      tpu.yield
    }) : () -> ()
    return
  }
}

module attributes {stable_mosaic.version = 14 : i64} {
  func.func @_pre_body(%arg0: i32, %arg1: memref<2x512xf32, #tpu.memory_space<vmem>>, %arg2: memref<512x256xf32, #tpu.memory_space<vmem>>, %arg3: memref<512x1xf32, #tpu.memory_space<vmem>>, %arg4: memref<2x512x128xf32, #tpu.memory_space<vmem>>) attributes {dimension_semantics = [#tpu.dimension_semantics<arbitrary>], iteration_bounds = array<i64: 20>, scalar_prefetch = 0 : i64, scratch_operands = 0 : i64, tpu.core_type = #tpu.core_type<tc>, window_params = [{transform_indices = @transform_0, window_bounds = array<i64: 2, 512>}, {transform_indices = @transform_1, window_bounds = array<i64: 512, 256>}, {transform_indices = @transform_2, window_bounds = array<i64: 512, 1>}, {transform_indices = @transform_3, window_bounds = array<i64: 2, 512, 128>}]} {
    %get3A = arith.constant 0 : index
    %get3A_0 = arith.constant 0 : index
    %get3A_1 = vector.load %arg1[%get3A, %get3A_0] : memref<2x512xf32, #tpu.memory_space<vmem>>, vector<1x512xf32>
    %get3A_2 = vector.shape_cast %get3A_1 : vector<1x512xf32> to vector<512xf32>
    %get3A_3 = arith.constant 1 : index
    %get3A_4 = arith.constant 0 : index
    %get3A_5 = vector.load %arg1[%get3A_3, %get3A_4] : memref<2x512xf32, #tpu.memory_space<vmem>>, vector<1x512xf32>
    %get3A_6 = vector.shape_cast %get3A_5 : vector<1x512xf32> to vector<512xf32>
    %add3A = arith.addf %get3A_2, %get3A_6 : vector<512xf32>
    %add3A_7 = arith.constant 1.000000e+00 : f32
    %add3A_8 = vector.broadcast %add3A_7 : f32 to vector<512xf32>
    %add3A_9 = arith.addf %add3A, %add3A_8 : vector<512xf32>
    %rsqrt3A = math.rsqrt %add3A_9 : vector<512xf32>
    %broadcast_in_dim3A = vector.shape_cast %rsqrt3A : vector<512xf32> to vector<512x1xf32>
    %swap3A = arith.constant 0 : index
    %swap3A_10 = arith.constant 0 : index
    %swap3A_11 = vector.load %arg3[%swap3A, %swap3A_10] : memref<512x1xf32, #tpu.memory_space<vmem>>, vector<512x1xf32>
    tpu.vector_store %arg3[%swap3A, %swap3A_10], %broadcast_in_dim3A {strides = array<i32>} : memref<512x1xf32, #tpu.memory_space<vmem>>, vector<512x1xf32>,
    %get3A_12 = arith.constant 0 : index
    %get3A_13 = arith.constant 0 : index
    %get3A_14 = vector.load %arg2[%get3A_12, %get3A_13] : memref<512x256xf32, #tpu.memory_space<vmem>>, vector<512x256xf32>
    %broadcast_in_dim3A_15 = vector.shape_cast %rsqrt3A : vector<512xf32> to vector<512x1xf32>
    %mul3A = vector.broadcast %broadcast_in_dim3A_15 : vector<512x1xf32> to vector<512x256xf32>
    %mul3A_16 = arith.mulf %get3A_14, %mul3A : vector<512x256xf32>
    %slice3A = vector.extract_strided_slice %mul3A_16 {offsets = [0, 0], sizes = [512, 128], strides = [1, 1]} : vector<512x256xf32> to vector<512x128xf32>
    %slice3A_17 = vector.extract_strided_slice %mul3A_16 {offsets = [0, 128], sizes = [512, 128], strides = [1, 1]} : vector<512x256xf32> to vector<512x128xf32>
    %stack3A = vector.shape_cast %slice3A : vector<512x128xf32> to vector<1x512x128xf32>
    %stack3A_18 = vector.shape_cast %slice3A_17 : vector<512x128xf32> to vector<1x512x128xf32>
    %stack3A_19 = tpu.concatenate %stack3A, %stack3A_18 in 0 : vector<1x512x128xf32>, vector<1x512x128xf32> -> vector<2x512x128xf32>
    %swap3A_20 = arith.constant 0 : index
    %swap3A_21 = arith.constant 0 : index
    %swap3A_22 = arith.constant 0 : index
    %swap3A_23 = vector.load %arg4[%swap3A_20, %swap3A_21, %swap3A_22] : memref<2x512x128xf32, #tpu.memory_space<vmem>>, vector<2x512x128xf32>
    tpu.vector_store %arg4[%swap3A_20, %swap3A_21, %swap3A_22], %stack3A_19 {strides = array<i32>} : memref<2x512x128xf32, #tpu.memory_space<vmem>>, vector<2x512x128xf32>,
    return
  }
  func.func @transform_0(%arg0: i32) -> (i32, i32) {
    %c0_i32 = arith.constant 0 : i32
    %c0_i32_0 = arith.constant 0 : i32
    return %c0_i32, %arg0 : i32, i32
  }
  func.func @transform_1(%arg0: i32) -> (i32, i32) {
    %c0_i32 = arith.constant 0 : i32
    %c0_i32_0 = arith.constant 0 : i32
    return %arg0, %c0_i32 : i32, i32
  }
  func.func @transform_2(%arg0: i32) -> (i32, i32) {
    %c0_i32 = arith.constant 0 : i32
    %c0_i32_0 = arith.constant 0 : i32
    return %arg0, %c0_i32 : i32, i32
  }
  func.func @transform_3(%arg0: i32) -> (i32, i32, i32) {
    %c0_i32 = arith.constant 0 : i32
    %c0_i32_0 = arith.constant 0 : i32
    %c0_i32_1 = arith.constant 0 : i32
    return %c0_i32, %arg0, %c0_i32_0 : i32, i32, i32
  }
}

module attributes {stable_mosaic.version = 14 : i64} {
  func.func @_mid1_body(%arg0: i32, %arg1: memref<2x512x128xf32, #tpu.memory_space<vmem>>, %arg2: memref<2x512x128xf32, #tpu.memory_space<vmem>>, %arg3: memref<512x1xf32, #tpu.memory_space<vmem>>, %arg4: memref<512x256xf32, #tpu.memory_space<vmem>>, %arg5: memref<512x256xf32, #tpu.memory_space<vmem>>, %arg6: memref<128x512xf32, #tpu.memory_space<vmem>>, %arg7: memref<128x512xf32, #tpu.memory_space<vmem>>, %arg8: memref<1x512xf32, #tpu.memory_space<vmem>>, %arg9: memref<256x256xf32, #tpu.memory_space<vmem>>, %arg10: memref<256x256xf32, #tpu.memory_space<vmem>>, %arg11: memref<512x256xf32, #tpu.memory_space<vmem>>, %arg12: memref<2x512x128xf32, #tpu.memory_space<vmem>>) attributes {dimension_semantics = [#tpu.dimension_semantics<arbitrary>], iteration_bounds = array<i64: 20>, scalar_prefetch = 0 : i64, scratch_operands = 0 : i64, tpu.core_type = #tpu.core_type<tc>, window_params = [{transform_indices = @transform_0, window_bounds = array<i64: 2, 512, 128>}, {transform_indices = @transform_1, window_bounds = array<i64: 2, 512, 128>}, {transform_indices = @transform_2, window_bounds = array<i64: 512, 1>}, {transform_indices = @transform_3, window_bounds = array<i64: 512, 256>}, {transform_indices = @transform_4, window_bounds = array<i64: 512, 256>}, {pipeline_mode = #tpu.pipeline_mode<synchronous>, transform_indices = @transform_5, window_bounds = array<i64: 128, 512>}, {pipeline_mode = #tpu.pipeline_mode<synchronous>, transform_indices = @transform_6, window_bounds = array<i64: 128, 512>}, {pipeline_mode = #tpu.pipeline_mode<synchronous>, transform_indices = @transform_7, window_bounds = array<i64: 1, 512>}, {pipeline_mode = #tpu.pipeline_mode<synchronous>, transform_indices = @transform_8, window_bounds = array<i64: 256, 256>}, {pipeline_mode = #tpu.pipeline_mode<synchronous>, transform_indices = @transform_9, window_bounds = array<i64: 256, 256>}, {pipeline_mode = #tpu.pipeline_mode<synchronous>, transform_indices = @transform_10, window_bounds = array<i64: 512, 256>}, {transform_indices = @transform_11, window_bounds = array<i64: 2, 512, 128>}]} {
    %get3A = arith.constant 0 : index
    %get3A_0 = arith.constant 0 : index
    %get3A_1 = vector.load %arg3[%get3A, %get3A_0] : memref<512x1xf32, #tpu.memory_space<vmem>>, vector<512x1xf32>
    %get3A_2 = arith.constant 0 : index
    %get3A_3 = arith.constant 0 : index
    %get3A_4 = arith.constant 0 : index
    %get3A_5 = vector.load %arg1[%get3A_2, %get3A_3, %get3A_4] : memref<2x512x128xf32, #tpu.memory_space<vmem>>, vector<1x512x128xf32>
    %get3A_6 = vector.shape_cast %get3A_5 : vector<1x512x128xf32> to vector<512x128xf32>
    %get3A_7 = arith.constant 0 : index
    %get3A_8 = arith.constant 0 : index
    %get3A_9 = arith.constant 0 : index
    %get3A_10 = vector.load %arg2[%get3A_7, %get3A_8, %get3A_9] : memref<2x512x128xf32, #tpu.memory_space<vmem>>, vector<1x512x128xf32>
    %get3A_11 = vector.shape_cast %get3A_10 : vector<1x512x128xf32> to vector<512x128xf32>
    %add3A = arith.addf %get3A_6, %get3A_11 : vector<512x128xf32>
    %mul3A = vector.broadcast %get3A_1 : vector<512x1xf32> to vector<512x128xf32>
    %mul3A_12 = arith.mulf %add3A, %mul3A : vector<512x128xf32>
    %get3A_13 = arith.constant 1 : index
    %get3A_14 = arith.constant 0 : index
    %get3A_15 = arith.constant 0 : index
    %get3A_16 = vector.load %arg1[%get3A_13, %get3A_14, %get3A_15] : memref<2x512x128xf32, #tpu.memory_space<vmem>>, vector<1x512x128xf32>
    %get3A_17 = vector.shape_cast %get3A_16 : vector<1x512x128xf32> to vector<512x128xf32>
    %get3A_18 = arith.constant 1 : index
    %get3A_19 = arith.constant 0 : index
    %get3A_20 = arith.constant 0 : index
    %get3A_21 = vector.load %arg2[%get3A_18, %get3A_19, %get3A_20] : memref<2x512x128xf32, #tpu.memory_space<vmem>>, vector<1x512x128xf32>
    %get3A_22 = vector.shape_cast %get3A_21 : vector<1x512x128xf32> to vector<512x128xf32>
    %add3A_23 = arith.addf %get3A_17, %get3A_22 : vector<512x128xf32>
    %mul3A_24 = vector.broadcast %get3A_1 : vector<512x1xf32> to vector<512x128xf32>
    %mul3A_25 = arith.mulf %add3A_23, %mul3A_24 : vector<512x128xf32>
    %get3A_26 = arith.constant 0 : index
    %get3A_27 = arith.constant 0 : index
    %get3A_28 = vector.load %arg6[%get3A_26, %get3A_27] : memref<128x512xf32, #tpu.memory_space<vmem>>, vector<128x512xf32>
    %dot_general3A = arith.constant dense<0.000000e+00> : vector<512x512xf32>
    %dot_general3A_29 = tpu.matmul %mul3A_12, %get3A_28, %dot_general3A {dimension_numbers = #tpu.dot_dimension_numbers<[1], [0], [0], [1], [0, 0, 1, 1], [], []>, transpose_lhs_hint = false} : vector<512x128xf32>, vector<128x512xf32>, vector<512x512xf32> -> vector<512x512xf32>
    %get3A_30 = arith.constant 0 : index
    %get3A_31 = arith.constant 0 : index
    %get3A_32 = vector.load %arg7[%get3A_30, %get3A_31] : memref<128x512xf32, #tpu.memory_space<vmem>>, vector<128x512xf32>
    %dot_general3A_33 = arith.constant dense<0.000000e+00> : vector<512x512xf32>
    %dot_general3A_34 = tpu.matmul %mul3A_25, %get3A_32, %dot_general3A_33 {dimension_numbers = #tpu.dot_dimension_numbers<[1], [0], [0], [1], [0, 0, 1, 1], [], []>, transpose_lhs_hint = false} : vector<512x128xf32>, vector<128x512xf32>, vector<512x512xf32> -> vector<512x512xf32>
    %add3A_35 = arith.addf %dot_general3A_29, %dot_general3A_34 : vector<512x512xf32>
    %get3A_36 = arith.constant 0 : index
    %get3A_37 = arith.constant 0 : index
    %get3A_38 = vector.load %arg8[%get3A_36, %get3A_37] : memref<1x512xf32, #tpu.memory_space<vmem>>, vector<1x512xf32>
    %add3A_39 = vector.broadcast %get3A_38 : vector<1x512xf32> to vector<512x512xf32>
    %add3A_40 = arith.addf %add3A_35, %add3A_39 : vector<512x512xf32>
    %max3A = arith.constant 0.000000e+00 : f32
    %max3A_41 = vector.broadcast %max3A : f32 to vector<512x512xf32>
    %max3A_42 = arith.maximumf %add3A_40, %max3A_41 : vector<512x512xf32>
    %get3A_43 = arith.constant 0 : index
    %get3A_44 = arith.constant 0 : index
    %get3A_45 = vector.load %arg4[%get3A_43, %get3A_44] : memref<512x256xf32, #tpu.memory_space<vmem>>, vector<512x256xf32>
    %get3A_46 = arith.constant 0 : index
    %get3A_47 = arith.constant 0 : index
    %get3A_48 = vector.load %arg9[%get3A_46, %get3A_47] : memref<256x256xf32, #tpu.memory_space<vmem>>, vector<256x256xf32>
    %dot_general3A_49 = arith.constant dense<0.000000e+00> : vector<512x256xf32>
    %dot_general3A_50 = tpu.matmul %get3A_45, %get3A_48, %dot_general3A_49 {dimension_numbers = #tpu.dot_dimension_numbers<[1], [0], [0], [1], [0, 0, 1, 1], [], []>, transpose_lhs_hint = false} : vector<512x256xf32>, vector<256x256xf32>, vector<512x256xf32> -> vector<512x256xf32>
    %get3A_51 = arith.constant 0 : index
    %get3A_52 = arith.constant 0 : index
    %get3A_53 = vector.load %arg5[%get3A_51, %get3A_52] : memref<512x256xf32, #tpu.memory_space<vmem>>, vector<512x256xf32>
    %get3A_54 = arith.constant 0 : index
    %get3A_55 = arith.constant 0 : index
    %get3A_56 = vector.load %arg10[%get3A_54, %get3A_55] : memref<256x256xf32, #tpu.memory_space<vmem>>, vector<256x256xf32>
    %dot_general3A_57 = arith.constant dense<0.000000e+00> : vector<512x256xf32>
    %dot_general3A_58 = tpu.matmul %get3A_53, %get3A_56, %dot_general3A_57 {dimension_numbers = #tpu.dot_dimension_numbers<[1], [0], [0], [1], [0, 0, 1, 1], [], []>, transpose_lhs_hint = false} : vector<512x256xf32>, vector<256x256xf32>, vector<512x256xf32> -> vector<512x256xf32>
    %add3A_59 = arith.addf %dot_general3A_50, %dot_general3A_58 : vector<512x256xf32>
    %get3A_60 = arith.constant 0 : index
    %get3A_61 = arith.constant 0 : index
    %get3A_62 = vector.load %arg11[%get3A_60, %get3A_61] : memref<512x256xf32, #tpu.memory_space<vmem>>, vector<512x256xf32>
    %dot_general3A_63 = arith.constant dense<0.000000e+00> : vector<512x256xf32>
    %dot_general3A_64 = tpu.matmul %max3A_42, %get3A_62, %dot_general3A_63 {dimension_numbers = #tpu.dot_dimension_numbers<[1], [0], [0], [1], [0, 0, 1, 1], [], []>, transpose_lhs_hint = false} : vector<512x512xf32>, vector<512x256xf32>, vector<512x256xf32> -> vector<512x256xf32>
    %add3A_65 = arith.addf %add3A_59, %dot_general3A_64 : vector<512x256xf32>
    %mul3A_66 = vector.broadcast %get3A_1 : vector<512x1xf32> to vector<512x256xf32>
    %mul3A_67 = arith.mulf %add3A_65, %mul3A_66 : vector<512x256xf32>
    %slice3A = vector.extract_strided_slice %mul3A_67 {offsets = [0, 0], sizes = [512, 128], strides = [1, 1]} : vector<512x256xf32> to vector<512x128xf32>
    %slice3A_68 = vector.extract_strided_slice %mul3A_67 {offsets = [0, 128], sizes = [512, 128], strides = [1, 1]} : vector<512x256xf32> to vector<512x128xf32>
    %stack3A = vector.shape_cast %slice3A : vector<512x128xf32> to vector<1x512x128xf32>
    %stack3A_69 = vector.shape_cast %slice3A_68 : vector<512x128xf32> to vector<1x512x128xf32>
    %stack3A_70 = tpu.concatenate %stack3A, %stack3A_69 in 0 : vector<1x512x128xf32>, vector<1x512x128xf32> -> vector<2x512x128xf32>
    %swap3A = arith.constant 0 : index
    %swap3A_71 = arith.constant 0 : index
    %swap3A_72 = arith.constant 0 : index
    %swap3A_73 = vector.load %arg12[%swap3A, %swap3A_71, %swap3A_72] : memref<2x512x128xf32, #tpu.memory_space<vmem>>, vector<2x512x128xf32>
    tpu.vector_store %arg12[%swap3A, %swap3A_71, %swap3A_72], %stack3A_70 {strides = array<i32>} : memref<2x512x128xf32, #tpu.memory_space<vmem>>, vector<2x512x128xf32>,
    return
  }
  func.func @transform_0(%arg0: i32) -> (i32, i32, i32) {
    %c0_i32 = arith.constant 0 : i32
    %c0_i32_0 = arith.constant 0 : i32
    %c0_i32_1 = arith.constant 0 : i32
    return %c0_i32, %arg0, %c0_i32_0 : i32, i32, i32
  }
  func.func @transform_1(%arg0: i32) -> (i32, i32, i32) {
    %c0_i32 = arith.constant 0 : i32
    %c0_i32_0 = arith.constant 0 : i32
    %c0_i32_1 = arith.constant 0 : i32
    return %c0_i32, %arg0, %c0_i32_0 : i32, i32, i32
  }
  func.func @transform_2(%arg0: i32) -> (i32, i32) {
    %c0_i32 = arith.constant 0 : i32
    %c0_i32_0 = arith.constant 0 : i32
    return %arg0, %c0_i32 : i32, i32
  }
  func.func @transform_3(%arg0: i32) -> (i32, i32) {
    %c0_i32 = arith.constant 0 : i32
    %c0_i32_0 = arith.constant 0 : i32
    return %arg0, %c0_i32 : i32, i32
  }
  func.func @transform_4(%arg0: i32) -> (i32, i32) {
    %c0_i32 = arith.constant 0 : i32
    %c0_i32_0 = arith.constant 0 : i32
    return %arg0, %c0_i32 : i32, i32
  }
  func.func @transform_5(%arg0: i32) -> (i32, i32) {
    %c0_i32 = arith.constant 0 : i32
    %c0_i32_0 = arith.constant 0 : i32
    %c0_i32_1 = arith.constant 0 : i32
    return %c0_i32, %c0_i32_0 : i32, i32
  }
  func.func @transform_6(%arg0: i32) -> (i32, i32) {
    %c0_i32 = arith.constant 0 : i32
    %c0_i32_0 = arith.constant 0 : i32
    %c0_i32_1 = arith.constant 0 : i32
    return %c0_i32, %c0_i32_0 : i32, i32
  }
  func.func @transform_7(%arg0: i32) -> (i32, i32) {
    %c0_i32 = arith.constant 0 : i32
    %c0_i32_0 = arith.constant 0 : i32
    %c0_i32_1 = arith.constant 0 : i32
    return %c0_i32, %c0_i32_0 : i32, i32
  }
  func.func @transform_8(%arg0: i32) -> (i32, i32) {
    %c0_i32 = arith.constant 0 : i32
    %c0_i32_0 = arith.constant 0 : i32
    %c0_i32_1 = arith.constant 0 : i32
    return %c0_i32, %c0_i32_0 : i32, i32
  }
  func.func @transform_9(%arg0: i32) -> (i32, i32) {
    %c0_i32 = arith.constant 0 : i32
    %c0_i32_0 = arith.constant 0 : i32
    %c0_i32_1 = arith.constant 0 : i32
    return %c0_i32, %c0_i32_0 : i32, i32
  }
  func.func @transform_10(%arg0: i32) -> (i32, i32) {
    %c0_i32 = arith.constant 0 : i32
    %c0_i32_0 = arith.constant 0 : i32
    %c0_i32_1 = arith.constant 0 : i32
    return %c0_i32, %c0_i32_0 : i32, i32
  }
  func.func @transform_11(%arg0: i32) -> (i32, i32, i32) {
    %c0_i32 = arith.constant 0 : i32
    %c0_i32_0 = arith.constant 0 : i32
    %c0_i32_1 = arith.constant 0 : i32
    return %c0_i32, %arg0, %c0_i32_0 : i32, i32, i32
  }
}

module attributes {stable_mosaic.version = 14 : i64} {
  func.func @_mid2_body(%arg0: i32, %arg1: memref<2x512x128xf32, #tpu.memory_space<vmem>>, %arg2: memref<2x512x128xf32, #tpu.memory_space<vmem>>, %arg3: memref<512x1xf32, #tpu.memory_space<vmem>>, %arg4: memref<512x256xf32, #tpu.memory_space<vmem>>, %arg5: memref<1x128xf32, #tpu.memory_space<vmem>>, %arg6: memref<1x128xf32, #tpu.memory_space<vmem>>, %arg7: memref<256x256xf32, #tpu.memory_space<vmem>>, %arg8: memref<128x256xf32, #tpu.memory_space<vmem>>, %arg9: memref<128x256xf32, #tpu.memory_space<vmem>>, %arg10: memref<2x512x128xf32, #tpu.memory_space<vmem>>) attributes {dimension_semantics = [#tpu.dimension_semantics<arbitrary>], iteration_bounds = array<i64: 20>, scalar_prefetch = 0 : i64, scratch_operands = 0 : i64, tpu.core_type = #tpu.core_type<tc>, window_params = [{transform_indices = @transform_0, window_bounds = array<i64: 2, 512, 128>}, {transform_indices = @transform_1, window_bounds = array<i64: 2, 512, 128>}, {transform_indices = @transform_2, window_bounds = array<i64: 512, 1>}, {transform_indices = @transform_3, window_bounds = array<i64: 512, 256>}, {pipeline_mode = #tpu.pipeline_mode<synchronous>, transform_indices = @transform_4, window_bounds = array<i64: 1, 128>}, {pipeline_mode = #tpu.pipeline_mode<synchronous>, transform_indices = @transform_5, window_bounds = array<i64: 1, 128>}, {pipeline_mode = #tpu.pipeline_mode<synchronous>, transform_indices = @transform_6, window_bounds = array<i64: 256, 256>}, {pipeline_mode = #tpu.pipeline_mode<synchronous>, transform_indices = @transform_7, window_bounds = array<i64: 128, 256>}, {pipeline_mode = #tpu.pipeline_mode<synchronous>, transform_indices = @transform_8, window_bounds = array<i64: 128, 256>}, {transform_indices = @transform_9, window_bounds = array<i64: 2, 512, 128>}]} {
    %get3A = arith.constant 0 : index
    %get3A_0 = arith.constant 0 : index
    %get3A_1 = vector.load %arg3[%get3A, %get3A_0] : memref<512x1xf32, #tpu.memory_space<vmem>>, vector<512x1xf32>
    %get3A_2 = arith.constant 0 : index
    %get3A_3 = arith.constant 0 : index
    %get3A_4 = arith.constant 0 : index
    %get3A_5 = vector.load %arg1[%get3A_2, %get3A_3, %get3A_4] : memref<2x512x128xf32, #tpu.memory_space<vmem>>, vector<1x512x128xf32>
    %get3A_6 = vector.shape_cast %get3A_5 : vector<1x512x128xf32> to vector<512x128xf32>
    %get3A_7 = arith.constant 0 : index
    %get3A_8 = arith.constant 0 : index
    %get3A_9 = arith.constant 0 : index
    %get3A_10 = vector.load %arg2[%get3A_7, %get3A_8, %get3A_9] : memref<2x512x128xf32, #tpu.memory_space<vmem>>, vector<1x512x128xf32>
    %get3A_11 = vector.shape_cast %get3A_10 : vector<1x512x128xf32> to vector<512x128xf32>
    %add3A = arith.addf %get3A_6, %get3A_11 : vector<512x128xf32>
    %mul3A = vector.broadcast %get3A_1 : vector<512x1xf32> to vector<512x128xf32>
    %mul3A_12 = arith.mulf %add3A, %mul3A : vector<512x128xf32>
    %get3A_13 = arith.constant 0 : index
    %get3A_14 = arith.constant 0 : index
    %get3A_15 = vector.load %arg5[%get3A_13, %get3A_14] : memref<1x128xf32, #tpu.memory_space<vmem>>, vector<1x128xf32>
    %add3A_16 = vector.broadcast %get3A_15 : vector<1x128xf32> to vector<512x128xf32>
    %add3A_17 = arith.addf %mul3A_12, %add3A_16 : vector<512x128xf32>
    %max3A = arith.constant 0.000000e+00 : f32
    %max3A_18 = vector.broadcast %max3A : f32 to vector<512x128xf32>
    %max3A_19 = arith.maximumf %add3A_17, %max3A_18 : vector<512x128xf32>
    %get3A_20 = arith.constant 1 : index
    %get3A_21 = arith.constant 0 : index
    %get3A_22 = arith.constant 0 : index
    %get3A_23 = vector.load %arg1[%get3A_20, %get3A_21, %get3A_22] : memref<2x512x128xf32, #tpu.memory_space<vmem>>, vector<1x512x128xf32>
    %get3A_24 = vector.shape_cast %get3A_23 : vector<1x512x128xf32> to vector<512x128xf32>
    %get3A_25 = arith.constant 1 : index
    %get3A_26 = arith.constant 0 : index
    %get3A_27 = arith.constant 0 : index
    %get3A_28 = vector.load %arg2[%get3A_25, %get3A_26, %get3A_27] : memref<2x512x128xf32, #tpu.memory_space<vmem>>, vector<1x512x128xf32>
    %get3A_29 = vector.shape_cast %get3A_28 : vector<1x512x128xf32> to vector<512x128xf32>
    %add3A_30 = arith.addf %get3A_24, %get3A_29 : vector<512x128xf32>
    %mul3A_31 = vector.broadcast %get3A_1 : vector<512x1xf32> to vector<512x128xf32>
    %mul3A_32 = arith.mulf %add3A_30, %mul3A_31 : vector<512x128xf32>
    %get3A_33 = arith.constant 0 : index
    %get3A_34 = arith.constant 0 : index
    %get3A_35 = vector.load %arg6[%get3A_33, %get3A_34] : memref<1x128xf32, #tpu.memory_space<vmem>>, vector<1x128xf32>
    %add3A_36 = vector.broadcast %get3A_35 : vector<1x128xf32> to vector<512x128xf32>
    %add3A_37 = arith.addf %mul3A_32, %add3A_36 : vector<512x128xf32>
    %max3A_38 = arith.constant 0.000000e+00 : f32
    %max3A_39 = vector.broadcast %max3A_38 : f32 to vector<512x128xf32>
    %max3A_40 = arith.maximumf %add3A_37, %max3A_39 : vector<512x128xf32>
    %get3A_41 = arith.constant 0 : index
    %get3A_42 = arith.constant 0 : index
    %get3A_43 = vector.load %arg4[%get3A_41, %get3A_42] : memref<512x256xf32, #tpu.memory_space<vmem>>, vector<512x256xf32>
    %get3A_44 = arith.constant 0 : index
    %get3A_45 = arith.constant 0 : index
    %get3A_46 = vector.load %arg7[%get3A_44, %get3A_45] : memref<256x256xf32, #tpu.memory_space<vmem>>, vector<256x256xf32>
    %dot_general3A = arith.constant dense<0.000000e+00> : vector<512x256xf32>
    %dot_general3A_47 = tpu.matmul %get3A_43, %get3A_46, %dot_general3A {dimension_numbers = #tpu.dot_dimension_numbers<[1], [0], [0], [1], [0, 0, 1, 1], [], []>, transpose_lhs_hint = false} : vector<512x256xf32>, vector<256x256xf32>, vector<512x256xf32> -> vector<512x256xf32>
    %get3A_48 = arith.constant 0 : index
    %get3A_49 = arith.constant 0 : index
    %get3A_50 = vector.load %arg8[%get3A_48, %get3A_49] : memref<128x256xf32, #tpu.memory_space<vmem>>, vector<128x256xf32>
    %dot_general3A_51 = arith.constant dense<0.000000e+00> : vector<512x256xf32>
    %dot_general3A_52 = tpu.matmul %max3A_19, %get3A_50, %dot_general3A_51 {dimension_numbers = #tpu.dot_dimension_numbers<[1], [0], [0], [1], [0, 0, 1, 1], [], []>, transpose_lhs_hint = false} : vector<512x128xf32>, vector<128x256xf32>, vector<512x256xf32> -> vector<512x256xf32>
    %add3A_53 = arith.addf %dot_general3A_47, %dot_general3A_52 : vector<512x256xf32>
    %get3A_54 = arith.constant 0 : index
    %get3A_55 = arith.constant 0 : index
    %get3A_56 = vector.load %arg9[%get3A_54, %get3A_55] : memref<128x256xf32, #tpu.memory_space<vmem>>, vector<128x256xf32>
    %dot_general3A_57 = arith.constant dense<0.000000e+00> : vector<512x256xf32>
    %dot_general3A_58 = tpu.matmul %max3A_40, %get3A_56, %dot_general3A_57 {dimension_numbers = #tpu.dot_dimension_numbers<[1], [0], [0], [1], [0, 0, 1, 1], [], []>, transpose_lhs_hint = false} : vector<512x128xf32>, vector<128x256xf32>, vector<512x256xf32> -> vector<512x256xf32>
    %add3A_59 = arith.addf %add3A_53, %dot_general3A_58 : vector<512x256xf32>
    %mul3A_60 = vector.broadcast %get3A_1 : vector<512x1xf32> to vector<512x256xf32>
    %mul3A_61 = arith.mulf %add3A_59, %mul3A_60 : vector<512x256xf32>
    %slice3A = vector.extract_strided_slice %mul3A_61 {offsets = [0, 0], sizes = [512, 128], strides = [1, 1]} : vector<512x256xf32> to vector<512x128xf32>
    %slice3A_62 = vector.extract_strided_slice %mul3A_61 {offsets = [0, 128], sizes = [512, 128], strides = [1, 1]} : vector<512x256xf32> to vector<512x128xf32>
    %stack3A = vector.shape_cast %slice3A : vector<512x128xf32> to vector<1x512x128xf32>
    %stack3A_63 = vector.shape_cast %slice3A_62 : vector<512x128xf32> to vector<1x512x128xf32>
    %stack3A_64 = tpu.concatenate %stack3A, %stack3A_63 in 0 : vector<1x512x128xf32>, vector<1x512x128xf32> -> vector<2x512x128xf32>
    %swap3A = arith.constant 0 : index
    %swap3A_65 = arith.constant 0 : index
    %swap3A_66 = arith.constant 0 : index
    %swap3A_67 = vector.load %arg10[%swap3A, %swap3A_65, %swap3A_66] : memref<2x512x128xf32, #tpu.memory_space<vmem>>, vector<2x512x128xf32>
    tpu.vector_store %arg10[%swap3A, %swap3A_65, %swap3A_66], %stack3A_64 {strides = array<i32>} : memref<2x512x128xf32, #tpu.memory_space<vmem>>, vector<2x512x128xf32>,
    return
  }
  func.func @transform_0(%arg0: i32) -> (i32, i32, i32) {
    %c0_i32 = arith.constant 0 : i32
    %c0_i32_0 = arith.constant 0 : i32
    %c0_i32_1 = arith.constant 0 : i32
    return %c0_i32, %arg0, %c0_i32_0 : i32, i32, i32
  }
  func.func @transform_1(%arg0: i32) -> (i32, i32, i32) {
    %c0_i32 = arith.constant 0 : i32
    %c0_i32_0 = arith.constant 0 : i32
    %c0_i32_1 = arith.constant 0 : i32
    return %c0_i32, %arg0, %c0_i32_0 : i32, i32, i32
  }
  func.func @transform_2(%arg0: i32) -> (i32, i32) {
    %c0_i32 = arith.constant 0 : i32
    %c0_i32_0 = arith.constant 0 : i32
    return %arg0, %c0_i32 : i32, i32
  }
  func.func @transform_3(%arg0: i32) -> (i32, i32) {
    %c0_i32 = arith.constant 0 : i32
    %c0_i32_0 = arith.constant 0 : i32
    return %arg0, %c0_i32 : i32, i32
  }
  func.func @transform_4(%arg0: i32) -> (i32, i32) {
    %c0_i32 = arith.constant 0 : i32
    %c0_i32_0 = arith.constant 0 : i32
    %c0_i32_1 = arith.constant 0 : i32
    return %c0_i32, %c0_i32_0 : i32, i32
  }
  func.func @transform_5(%arg0: i32) -> (i32, i32) {
    %c0_i32 = arith.constant 0 : i32
    %c0_i32_0 = arith.constant 0 : i32
    %c0_i32_1 = arith.constant 0 : i32
    return %c0_i32, %c0_i32_0 : i32, i32
  }
  func.func @transform_6(%arg0: i32) -> (i32, i32) {
    %c0_i32 = arith.constant 0 : i32
    %c0_i32_0 = arith.constant 0 : i32
    %c0_i32_1 = arith.constant 0 : i32
    return %c0_i32, %c0_i32_0 : i32, i32
  }
  func.func @transform_7(%arg0: i32) -> (i32, i32) {
    %c0_i32 = arith.constant 0 : i32
    %c0_i32_0 = arith.constant 0 : i32
    %c0_i32_1 = arith.constant 0 : i32
    return %c0_i32, %c0_i32_0 : i32, i32
  }
  func.func @transform_8(%arg0: i32) -> (i32, i32) {
    %c0_i32 = arith.constant 0 : i32
    %c0_i32_0 = arith.constant 0 : i32
    %c0_i32_1 = arith.constant 0 : i32
    return %c0_i32, %c0_i32_0 : i32, i32
  }
  func.func @transform_9(%arg0: i32) -> (i32, i32, i32) {
    %c0_i32 = arith.constant 0 : i32
    %c0_i32_0 = arith.constant 0 : i32
    %c0_i32_1 = arith.constant 0 : i32
    return %c0_i32, %arg0, %c0_i32_0 : i32, i32, i32
  }
}

module attributes {stable_mosaic.version = 14 : i64} {
  func.func @_post_body(%arg0: i32, %arg1: memref<2x512x128xf32, #tpu.memory_space<vmem>>, %arg2: memref<2x512x128xf32, #tpu.memory_space<vmem>>, %arg3: memref<512x1xf32, #tpu.memory_space<vmem>>, %arg4: memref<1x128xf32, #tpu.memory_space<vmem>>, %arg5: memref<1x128xf32, #tpu.memory_space<vmem>>, %arg6: memref<512x128xf32, #tpu.memory_space<vmem>>, %arg7: memref<512x128xf32, #tpu.memory_space<vmem>>) attributes {dimension_semantics = [#tpu.dimension_semantics<arbitrary>], iteration_bounds = array<i64: 20>, scalar_prefetch = 0 : i64, scratch_operands = 0 : i64, tpu.core_type = #tpu.core_type<tc>, window_params = [{transform_indices = @transform_0, window_bounds = array<i64: 2, 512, 128>}, {transform_indices = @transform_1, window_bounds = array<i64: 2, 512, 128>}, {transform_indices = @transform_2, window_bounds = array<i64: 512, 1>}, {pipeline_mode = #tpu.pipeline_mode<synchronous>, transform_indices = @transform_3, window_bounds = array<i64: 1, 128>}, {pipeline_mode = #tpu.pipeline_mode<synchronous>, transform_indices = @transform_4, window_bounds = array<i64: 1, 128>}, {transform_indices = @transform_5, window_bounds = array<i64: 512, 128>}, {transform_indices = @transform_6, window_bounds = array<i64: 512, 128>}]} {
    %get3A = arith.constant 0 : index
    %get3A_0 = arith.constant 0 : index
    %get3A_1 = vector.load %arg3[%get3A, %get3A_0] : memref<512x1xf32, #tpu.memory_space<vmem>>, vector<512x1xf32>
    %get3A_2 = arith.constant 0 : index
    %get3A_3 = arith.constant 0 : index
    %get3A_4 = arith.constant 0 : index
    %get3A_5 = vector.load %arg1[%get3A_2, %get3A_3, %get3A_4] : memref<2x512x128xf32, #tpu.memory_space<vmem>>, vector<1x512x128xf32>
    %get3A_6 = vector.shape_cast %get3A_5 : vector<1x512x128xf32> to vector<512x128xf32>
    %get3A_7 = arith.constant 0 : index
    %get3A_8 = arith.constant 0 : index
    %get3A_9 = arith.constant 0 : index
    %get3A_10 = vector.load %arg2[%get3A_7, %get3A_8, %get3A_9] : memref<2x512x128xf32, #tpu.memory_space<vmem>>, vector<1x512x128xf32>
    %get3A_11 = vector.shape_cast %get3A_10 : vector<1x512x128xf32> to vector<512x128xf32>
    %add3A = arith.addf %get3A_6, %get3A_11 : vector<512x128xf32>
    %mul3A = vector.broadcast %get3A_1 : vector<512x1xf32> to vector<512x128xf32>
    %mul3A_12 = arith.mulf %add3A, %mul3A : vector<512x128xf32>
    %get3A_13 = arith.constant 0 : index
    %get3A_14 = arith.constant 0 : index
    %get3A_15 = vector.load %arg4[%get3A_13, %get3A_14] : memref<1x128xf32, #tpu.memory_space<vmem>>, vector<1x128xf32>
    %add3A_16 = vector.broadcast %get3A_15 : vector<1x128xf32> to vector<512x128xf32>
    %add3A_17 = arith.addf %mul3A_12, %add3A_16 : vector<512x128xf32>
    %swap3A = arith.constant 0 : index
    %swap3A_18 = arith.constant 0 : index
    %swap3A_19 = vector.load %arg6[%swap3A, %swap3A_18] : memref<512x128xf32, #tpu.memory_space<vmem>>, vector<512x128xf32>
    tpu.vector_store %arg6[%swap3A, %swap3A_18], %add3A_17 {strides = array<i32>} : memref<512x128xf32, #tpu.memory_space<vmem>>, vector<512x128xf32>,
    %get3A_20 = arith.constant 1 : index
    %get3A_21 = arith.constant 0 : index
    %get3A_22 = arith.constant 0 : index
    %get3A_23 = vector.load %arg1[%get3A_20, %get3A_21, %get3A_22] : memref<2x512x128xf32, #tpu.memory_space<vmem>>, vector<1x512x128xf32>
    %get3A_24 = vector.shape_cast %get3A_23 : vector<1x512x128xf32> to vector<512x128xf32>
    %get3A_25 = arith.constant 1 : index
    %get3A_26 = arith.constant 0 : index
    %get3A_27 = arith.constant 0 : index
    %get3A_28 = vector.load %arg2[%get3A_25, %get3A_26, %get3A_27] : memref<2x512x128xf32, #tpu.memory_space<vmem>>, vector<1x512x128xf32>
    %get3A_29 = vector.shape_cast %get3A_28 : vector<1x512x128xf32> to vector<512x128xf32>
    %add3A_30 = arith.addf %get3A_24, %get3A_29 : vector<512x128xf32>
    %mul3A_31 = vector.broadcast %get3A_1 : vector<512x1xf32> to vector<512x128xf32>
    %mul3A_32 = arith.mulf %add3A_30, %mul3A_31 : vector<512x128xf32>
    %get3A_33 = arith.constant 0 : index
    %get3A_34 = arith.constant 0 : index
    %get3A_35 = vector.load %arg5[%get3A_33, %get3A_34] : memref<1x128xf32, #tpu.memory_space<vmem>>, vector<1x128xf32>
    %add3A_36 = vector.broadcast %get3A_35 : vector<1x128xf32> to vector<512x128xf32>
    %add3A_37 = arith.addf %mul3A_32, %add3A_36 : vector<512x128xf32>
    %swap3A_38 = arith.constant 0 : index
    %swap3A_39 = arith.constant 0 : index
    %swap3A_40 = vector.load %arg7[%swap3A_38, %swap3A_39] : memref<512x128xf32, #tpu.memory_space<vmem>>, vector<512x128xf32>
    tpu.vector_store %arg7[%swap3A_38, %swap3A_39], %add3A_37 {strides = array<i32>} : memref<512x128xf32, #tpu.memory_space<vmem>>, vector<512x128xf32>,
    return
  }
  func.func @transform_0(%arg0: i32) -> (i32, i32, i32) {
    %c0_i32 = arith.constant 0 : i32
    %c0_i32_0 = arith.constant 0 : i32
    %c0_i32_1 = arith.constant 0 : i32
    return %c0_i32, %arg0, %c0_i32_0 : i32, i32, i32
  }
  func.func @transform_1(%arg0: i32) -> (i32, i32, i32) {
    %c0_i32 = arith.constant 0 : i32
    %c0_i32_0 = arith.constant 0 : i32
    %c0_i32_1 = arith.constant 0 : i32
    return %c0_i32, %arg0, %c0_i32_0 : i32, i32, i32
  }
  func.func @transform_2(%arg0: i32) -> (i32, i32) {
    %c0_i32 = arith.constant 0 : i32
    %c0_i32_0 = arith.constant 0 : i32
    return %arg0, %c0_i32 : i32, i32
  }
  func.func @transform_3(%arg0: i32) -> (i32, i32) {
    %c0_i32 = arith.constant 0 : i32
    %c0_i32_0 = arith.constant 0 : i32
    %c0_i32_1 = arith.constant 0 : i32
    return %c0_i32, %c0_i32_0 : i32, i32
  }
  func.func @transform_4(%arg0: i32) -> (i32, i32) {
    %c0_i32 = arith.constant 0 : i32
    %c0_i32_0 = arith.constant 0 : i32
    %c0_i32_1 = arith.constant 0 : i32
    return %c0_i32, %c0_i32_0 : i32, i32
  }
  func.func @transform_5(%arg0: i32) -> (i32, i32) {
    %c0_i32 = arith.constant 0 : i32
    %c0_i32_0 = arith.constant 0 : i32
    return %arg0, %c0_i32 : i32, i32
  }
  func.func @transform_6(%arg0: i32) -> (i32, i32) {
    %c0_i32 = arith.constant 0 : i32
    %c0_i32_0 = arith.constant 0 : i32
    return %arg0, %c0_i32 : i32, i32
  }
}

</mosaic_0001>

<sc_bundles>
// kernel: kernel.10.cloned.1.call-start
scs
__scs_entry_jumppad:
0x0: {  	(pc) =	sbr.rel $0x88, $3  }
0x1: {  	(tag) =	ssettag $0x0;
	lr =	simm.s32 $0x1  }
0x2: {  	[smem:$0x3F96] =	sst lr;
	_ =	strace $0xD0000000  }
0x3: {  	_ = 	snop  }
0x4: {  	_ = 	snop  }
0x5: {  	_ = 	snop  }
0x6: {  	_ = 	snop  }
0x7: {  	_ = 	snop  }
__scs_overlays_trampoline_lowered:
0x8: {  	[smem:$0x3FA5] =	sst s0  }
0x9: {  	[smem:$0x3FA6] =	sst s1  }
0xa: {  	[smem:$0x3FA7] =	sst s2  }
0xb: {  	[smem:$0x3FA8] =	sst s3  }
0xc: {  	[smem:$0x3FA9] =	sst s4  }
0xd: {  	[smem:$0x3FAA] =	sst s5  }
0xe: {  	[smem:$0x3FAB] =	sst s6  }
0xf: {  	[smem:$0x3FAC] =	sst s7  }
0x10: {  	[smem:$0x3FAD] =	sst s8  }
0x11: {  	[smem:$0x3FAE] =	sst s9;
	s0 =	simm.s32 @!p0 $0x0  }
0x12: {  	s1 =	sld [smem:$0x3F94];
	s0 =	simm.s32 @p0 $0x1  }
0x13: {  	[smem:$0x3FAF] =	sst s0;
	s0 =	simm.s32 @!p1 $0x0  }
0x14: {  	s2 =	sld [smem:$0x3F93];
	s0 =	simm.s32 @p1 $0x1  }
0x15: {  	[smem:$0x3FB0] =	sst s0;
	s0 =	simm.s32 @!p2 $0x0  }
0x16: {  	s3 =	sld [smem:$0x3FDB];
	s0 =	simm.s32 @p2 $0x1  }
0x17: {  	s4 =	simm.s32 $0x1BF5;
	[smem:$0x3FB2] =	sst s0  }
0x18: {  	s0 =	sld [smem:$0x3F95];
	_ =	swait.ge [sflag:s4], $0x0  }
0x19: {  	s7 =	sld [smem:$0x3F96]  }
0x1a: {  	s8 =	sadd.s32 $0xFFFFE003, lr  }
0x1b: {  	s9 =	sadd.s32 $0xFFFFFEF7, lr;
	s5 =	simm.s32 $0xFFFFFFFF;
	p2 =	slt.u32 s8, $0xFFFFF086  }
0x1c: {  	p1 =	slt.u32 s9, $0xF7A;
	s5 =	simm.s32 @!p2 $0x0  }
0x1d: {  	s5 =	simm.s32 @p1 $0x1;
	p0 =	seq.s32 s7, s2  }
0x1e: {  	s7 =	smul.u32 @!p0 $0xF7A, s2;
	p2 =	seq.s32 @!p0 s5, $0x0  }
0x1f: {  	s9 =	smul.u32 $0xF7A, s1;
	s8 =	simm.s32 @!p0 $0x1BF5;
	p2 =	por !p2, p0  }
0x20: {  	[sflag:s8] =	ssyncset.s32 @!p0 $0xFFFFF086;
	s6 =	sadd.s32 @!p0 s3, s7;
	s7 =	simm.s32 @!p0 $0x108  }
0x21: {  	s3 =	sadd.s32 s3, s9;
	s6 =	sadd.s32 @!p0 $0x88, s6;
	s7 =	simm.s32 @p2 $0x1082  }
0x22: {  	[simem:s7], [sflag:s8] =	dma.local @!p0 [hbm:s6], $0xF7A  }
0x23: {  	s9 =	sor.u32 $0xD0000000, s2;
	s6 =	simm.s32 $0x108;
	_ =	swait.ge @!p0 [sflag:s8], $0x0  }
0x24: {  	s3 =	sadd.s32 $0x88, s3;
	s6 =	simm.s32 @!p1 $0x1082;
	[sflag:s4] =	ssyncset.s32 $0xFFFFF086  }
0x25: {  	[simem:s6], [sflag:s4] =	dma.local [hbm:s3], $0xF7A  }
0x26: {  	[smem:$0x3F96] =	sst s1;
	(tag) =	ssettag s2;
	_ =	strace s9  }
0x27: {  	s1 =	sld [smem:$0x3FA6]  }
0x28: {  	s2 =	sld [smem:$0x3FA7]  }
0x29: {  	s4 =	sld [smem:$0x3FA9]  }
0x2a: {  	p0 =	seq.s32 s5, $0x0;
	s5 =	sld [smem:$0x3FAA]  }
0x2b: {  	s6 =	sld [smem:$0x3FAB]  }
0x2c: {  	s7 =	sld [smem:$0x3FAC]  }
0x2d: {  	s3 =	simm.s32 $0x108;
	s8 =	sld [smem:$0x3FAD]  }
0x2e: {  	s3 =	simm.s32 @!p0 $0x1082;
	s9 =	sld [smem:$0x3FAE]  }
0x2f: {  	lr =	sadd.s32 s0, s3;
	s0 =	sld [smem:$0x3FA5]  }
0x30: {  	s3 =	sld [smem:$0x3FA8]  }
0x31: {  	[smem:$0x3FB1] =	sst s10  }
0x32: {  	s10 =	sld [smem:$0x3FAF];
	_ =	sdelay $0x3  }
0x33: {  	p0 =	seq.s32 s10, $0x1;
	s10 =	sld [smem:$0x3FB1];
	_ =	sdelay $0x3  }
0x34: {  	[smem:$0x3FB1] =	sst s10  }
0x35: {  	s10 =	sld [smem:$0x3FB0];
	_ =	sdelay $0x3  }
0x36: {  	p1 =	seq.s32 s10, $0x1;
	s10 =	sld [smem:$0x3FB1];
	_ =	sdelay $0x3  }
0x37: {  	[smem:$0x3FB1] =	sst s10  }
0x38: {  	s10 =	sld [smem:$0x3FB2]  }
0x39: {  	_ = 	snop;
	(pc) =	sbr.ind lr, $3  }
0x3a: {  	_ = 	snop  }
0x3b: {  	_ = 	snop  }
0x3c: {  	p2 =	seq.s32 s10, $0x1;
	s10 =	sld [smem:$0x3FB1]  }
0x3d: {  	_ =	shalt  }
0x3e: {  	_ =	shalt  }
0x3f: {  	_ =	shalt  }
0x40: {  	_ =	shalt  }
0x41: {  	_ =	shalt  }
0x42: {  	_ =	shalt  }
0x43: {  	_ =	shalt  }
0x44: {  	_ =	shalt  }
0x45: {  	_ =	shalt  }
0x46: {  	_ =	shalt  }
0x47: {  	_ =	shalt  }
0x48: {  	_ =	shalt  }
0x49: {  	_ =	shalt  }
0x4a: {  	_ =	shalt  }
0x4b: {  	_ =	shalt  }
0x4c: {  	_ =	shalt  }
0x4d: {  	_ =	shalt  }
0x4e: {  	_ =	shalt  }
0x4f: {  	_ =	shalt  }
0x50: {  	_ =	shalt  }
0x51: {  	_ =	shalt  }
0x52: {  	_ =	shalt  }
0x53: {  	_ =	shalt  }
0x54: {  	_ =	shalt  }
0x55: {  	_ =	shalt  }
0x56: {  	_ =	shalt  }
0x57: {  	_ =	shalt  }
0x58: {  	_ =	shalt  }
0x59: {  	_ =	shalt  }
0x5a: {  	_ =	shalt  }
0x5b: {  	_ =	shalt  }
0x5c: {  	_ =	shalt  }
0x5d: {  	_ =	shalt  }
0x5e: {  	_ =	shalt  }
0x5f: {  	_ =	shalt  }
0x60: {  	_ =	shalt  }
0x61: {  	_ =	shalt  }
0x62: {  	_ =	shalt  }
0x63: {  	_ =	shalt  }
0x64: {  	_ =	shalt  }
0x65: {  	_ =	shalt  }
0x66: {  	_ =	shalt  }
0x67: {  	_ =	shalt  }
0x68: {  	_ =	shalt  }
0x69: {  	_ =	shalt  }
0x6a: {  	_ =	shalt  }
0x6b: {  	_ =	shalt  }
0x6c: {  	_ =	shalt  }
0x6d: {  	_ =	shalt  }
0x6e: {  	_ =	shalt  }
0x6f: {  	_ =	shalt  }
0x70: {  	_ =	shalt  }
0x71: {  	_ =	shalt  }
0x72: {  	_ =	shalt  }
0x73: {  	_ =	shalt  }
0x74: {  	_ =	shalt  }
0x75: {  	_ =	shalt  }
0x76: {  	_ =	shalt  }
0x77: {  	_ =	shalt  }
0x78: {  	_ =	shalt  }
0x79: {  	_ =	shalt  }
0x7a: {  	_ =	shalt  }
0x7b: {  	_ =	shalt  }
0x7c: {  	_ =	shalt  }
0x7d: {  	_ =	shalt  }
0x7e: {  	_ =	shalt  }
0x7f: {  	_ =	shalt  }
0x80: {  	_ =	shalt  }
0x81: {  	_ =	shalt  }
0x82: {  	_ =	shalt  }
0x83: {  	_ =	shalt  }
0x84: {  	_ =	shalt  }
0x85: {  	_ =	shalt  }
0x86: {  	_ =	shalt  }
0x87: {  	_ =	shalt  }
.Lfunc_end0:
.L_simem_size_0:
called_computation_lowered:
.L_overlay_start_0:
0x88: {  	s2 =	sld [smem:$0x3FD9]  }
0x89: {  	s3 =	sld [smem:$0x3FFE];
	_ =	sdelay $0x1  }
0x8a: {  	s1 =	srdreg.scid  }
0x8b: {  	s0 =	sand.u32 $0x1, s1  }
0x8c: {  	s14 =	sshll.u32 s0, $0xA;
	s2 =	sadd.s32 s3, s2  }
0x8d: {  	s2 =	sadd.s32 s2, s14  }
0x8e: {  	[smem:$0x3FBD] =	sst s2  }
0x8f: {  	_ = 	snop  }
0x90: {  	s2 =	sld [smem:$0x3FD0];
	_ =	sdelay $0x2  }
0x91: {  	s15 =	simm.s32 $0xA;
	s4 =	simm.s32 $0x10  }
0x92: {  	[smem:s4], [sflag:s15] =	dma.local [hbm:s2], $0x1  }
0x93: {  	_ =	swait.eq [sflag:s15], $0x1  }
0x94: {  	[sflag:s15] =	ssyncset.done $0x0  }
0x95: {  	[sflag:s15] =	ssyncadd.s32 $0xFFFFFFFF  }
0x96: {  	s16 =	sld [smem:$0x10];
	(tm) =	ssettm $0x1  }
0x97: {  	s17 =	sld [smem:$0x3FFB];
	_ =	sdelay $0x3  }
0x98: {  	_ =	strace s17  }
0x99: {  	s3 =	sld [smem:$0x3FFC];
	_ =	sdelay $0x3  }
0x9a: {  	_ =	strace s3  }
0x9b: {  	s3 =	sld [smem:$0x3FFD];
	_ =	sdelay $0x3  }
0x9c: {  	_ =	strace s3  }
0x9d: {  	_ =	strace $0x8FFFFFFF  }
0x9e: {  	s18 =	sld [smem:$0x3FDB];
	_ =	sdelay $0x1  }
0x9f: {  	s19 =	simm.s32 $_scs_section_size  }
0xa0: {  	s5 =	simm.s32 $_size__tile_overlayer_lowered;
	s6 =	simm.s32 $_tile_overlayer_lowered  }
0xa1: {  	s22 =	simm.s32 $0x1BFF;
	s21 =	sshll.u32 s6, $0x1;
	s3 =	sadd.s32 s19, s18  }
0xa2: {  	s7 =	simm.s32 $0x0;
	s20 =	sshll.u32 s5, $0x1;
	s5 =	sadd.s32 s21, s3  }
0xa3: {  	[timem:s7], [sflag:s22] =	dma.local [hbm:s5], s20  }
0xa4: {  	_ =	swait.ge [sflag:s22], s20  }
0xa5: {  	s4 =	ssub.s32 $0x0, s20;
	[sflag:s22] =	ssyncset.done $0x0  }
0xa6: {  	[sflag:s22] =	ssyncadd.s32 s4;
	_ =	sdelay $0x1  }
0xa7: {  	s23 =	simm.s32 $0x1B8B  }
0xa8: {  	_ =	swait.ge [sflag:s23], $0x1  }
0xa9: {  	[sflag:s23] =	ssyncset.done $0x0  }
0xaa: {  	s25 =	simm.s32 $0x1B8E;
	s24 =	sld [smem:$0x3FFE];
	[sflag:s23] =	ssyncadd.s32 $0xFFFFFFFF  }
0xab: {  	s26 =	simm.s32 $execute0_lowered;
	[smem:$0x3FD2] =	sst s25  }
0xac: {  	s5 =	sshll.u32 s26, $0x1;
	_ =	strace $0x80000046;
	[dreg:$0x1] =	wrdreg $0xFFFFFFFF  }
0xad: {  	s28 =	simm.s32 $_size_execute0_lowered;
	s3 =	sadd.s32 s3, s5;
	[dreg:$0x0] =	wrdreg $0x0  }
0xae: {  	s5 =	sshll.u32 s28, $0x1;
	[dreg:$0x2] =	wrdreg s3  }
0xaf: {  	[dreg:$0x3] =	wrdreg s5  }
0xb0: {  	[dreg:$0x4] =	wrdreg $0xC0  }
0xb1: {  	_ =	task [dreg:s7], $0x5FFFF  }
0xb2: {  	[dreg:$0x1] =	wrdreg $0xFFFFFFFF  }
0xb3: {  	[dreg:$0x0] =	wrdreg $0x60  }
0xb4: {  	[dreg:$0x2] =	wrdreg s16  }
0xb5: {  	[dreg:$0x3] =	wrdreg s24  }
0xb6: {  	[dreg:$0x4] =	wrdreg $0x14800  }
0xb7: {  	[dreg:$0x5] =	wrdreg $0x9  }
0xb8: {  	_ =	task.clear_ibuf [dreg:s7], $0x6FFFF;
	_ =	strace $0x90000046  }
0xb9: {  	s29 =	simm.s32 $0x9;
	_ =	strace $0x80000048  }
0xba: {  	_ =	swait.ge [sflag:s29], $0x1  }
0xbb: {  	[sflag:s29] =	ssyncadd.s32 $0xFFFFFFFF  }
0xbc: {  	_ =	strace $0x90000048  }
0xbd: {  	_ =	sfence  }
0xbe: {  	s30 =	sld [smem:$0x0];
	_ =	sdelay $0x2  }
0xbf: {  	s31 =	sshll.u32 s1, $0xD;
	s1 =	sshrl.u32 s1, $0x2  }
0xc0: {  	s3 =	sand.u32 $0x4000, s31;
	s1 =	sadd.s32 s1, s30  }
0xc1: {  	s0 =	sor.u32 s3, s0;
	s1 =	sshll.u32 s1, $0x11  }
0xc2: {  	s0 =	sor.u32 s1, s0  }
0xc3: {  	s0 =	sadd.s32 $0x8F2B, s0  }
0xc4: {  	[sflag:s0] =	ssyncadd.remote.s32 $0x1  }
0xc5: {  	_ =	sfence.sel $0xFFFF  }
0xc6: {  	[dreg:$0x0] =	wrdreg $0xFFFFFFFF;
	(pc) =	sbr.abs _section_cstart, $3  }
0xc7: {  	[dreg:$0x1] =	wrdreg $0xFFFFFFFF  }
0xc8: {  	_ =	task.clear_ibuf [dreg:s7], $0x2FFFF;
	_ =	strace $0x9FFFFFFF  }
0xc9: {  	(tm) =	ssettm $0x7FFFFFFF  }
tec
execute0_lowered:
.L_overlay_start_1:
0x0: {  	(tag) =	ssettag $0x1  }
0x1: {  	s7 =	rddreg [dreg:$0x0]  }
0x2: {  	s5 =	rddreg [dreg:$0x1]  }
0x3: {  	s2 =	rddreg [dreg:$0x2]  }
0x4: {  	s0 =	rddreg [dreg:$0x3]  }
0x5: {  	s3 =	simm.s32 $0x0;
	s1 =	stileid.u32;
	s4 =	srdreg.scid  }
0x6: {  	s14 =	simm.s32 $0x20;
	s15 =	simm.s32 $0x10;
	s6 =	smul.u32 $0x280, s1  }
0x7: {  	s16 =	simm.s32 $0x0;
	[smem:$0x7FF] =	sst s3;
	s9 =	smul.u32 $0x500, s1  }
0x8: {  	s4 =	sand.u32 $0x1, s4;
	s12 =	smul.u32 $0x1400, s1;
	s31 =	sshll.u32 s1, $0x6  }
0x9: {  	_ =	strace $0x80000047;
	s10 =	sshll.u32 s4, $0x7;
	s11 =	smul.u32 $0x14000, s4  }
0xa: {  	s28 =	ssub.s32 $0x2, s4;
	s4 =	sadd.s32 $0x4000, s5;
	s8 =	sshrl.u32 s6, $0x3  }
0xb: {  	s9 =	sor.u32 s10, s9;
	s13 =	sshrl.u32 s28, $0x1;
	s30 =	sadd.s32 s6, s2  }
0xc: {  	s6 =	sor.u32 $0x1C01, s31;
	s8 =	sadd.s32 s8, s5;
	s9 =	sshrl.u32 s9, $0x3  }
0xd: {  	s10 =	ssub.s32 s28, s13;
	s29 =	sadd.s32 s12, s11;
	s11 =	simm.s32 $0x1  }
0xe: {  	s13 =	simm.s32 $0x80;
	s9 =	sadd.s32 s9, s5;
	s12 =	sshrl.u32 s29, $0x3  }
0xf: {  	s5 =	sadd.s32 $0x3A00, s8;
	s7 =	sadd.s32 s7, s12;
	s8 =	sadd.s32 $0x4200, s9  }
0x10: {  	s9 =	smax.u32 s10, $0x1;
	s10 =	sshrl.u32 s30, $0x3;
	s12 =	simm.s32 $0x1400  }
.LBB2_1:
0x11: {  	[spmem:s10], [sflag:s6] =	dma.local [hbm:s5], $0x50  }
0x12: {  	_ =	swait.ge [sflag:s11], $0x50  }
0x13: {  	[sflag:s11] =	ssyncset.done $0x0  }
0x14: {  	[sflag:s11] =	ssyncadd.s32 $0xFFFFFFB0  }
0x15: {  	[tilespmem:s3], [sflag:$0x1] =	stream.linear.gather [hbm4b:s7+s3], $0x1400, $0x38;
	[tilespmem:$0x1700] =	vst v63  }
0x16: {  	_ =	swait.ge [sflag:s11], $0x1400  }
0x17: {  	[sflag:s11] =	ssyncset.done $0x0  }
0x18: {  	[sflag:s11] =	ssyncadd.s32 $0xFFFFEC00  }
0x19: {  	[tilespmem:s12], [sflag:$0x1] =	stream.linear.gather [hbm4b:s4+s3], $0x80, $0x38;
	[tilespmem:$0x1700] =	vst v63  }
0x1a: {  	_ =	swait.ge [sflag:s11], $0x80  }
0x1b: {  	[sflag:s11] =	ssyncset.done $0x0  }
0x1c: {  	[sflag:s11] =	ssyncadd.s32 $0xFFFFFF80  }
0x1d: {  	s17 =	simm.s32 $0x0;
	[bflag:$0x0] =	sbarrier.arrive $0xFFFF  }
0x1e: {  	[spmem:s2] =	stream.indirect.scatter.add.f32 [tilespmem:s12], [sflag:$0x1], $0x1, s17, s13, $0xb8;
	[tilespmem:$0x1700] =	vst v63  }
0x1f: {  	_ =	swait.ge [sflag:s11], $0x80  }
0x20: {  	s17 =	simm.s32 $0x200;
	[sflag:s11] =	ssyncset.done $0x0  }
.LBB2_2:
0x21: {  	s18 =	sshra.s32 s17, $0x2;
	[sflag:s11] =	ssyncadd.s32 $0xFFFFFF80;
	p0 =	sne.s32 s17, $0x4E00  }
0x22: {  	[spmem:s2] =	stream.indirect.scatter.add.f32 [tilespmem:s12], [sflag:$0x1], $0x1, s18, s13, $0xb8;
	[tilespmem:$0x1700] =	vst v63  }
.Ltmp0:
0x23: {  	_ = 	snop;
	(pc) =	sbr.rel @p0 .LBB2_2-.Ltmp0, $4  }
0x24: {  	_ = 	snop  }
0x25: {  	s17 =	sadd.s32 $0x200, s17  }
0x26: {  	_ =	swait.ge [sflag:s11], $0x80  }
0x27: {  	[sflag:s11] =	ssyncset.done $0x0  }
0x28: {  	s16 =	sadd.s32 $0x1, s16  }
0x29: {  	[sflag:s11] =	ssyncadd.s32 $0xFFFFFF80;
	p0 =	sne.s32 s16, s9  }
.Ltmp1:
0x2a: {  	[bflag:$0x0] =	sbarrier.arrive $0xFFFF;
	(pc) =	sbr.rel @p0 .LBB2_1-.Ltmp1, $4  }
0x2b: {  	[hbm:s8@s14], [sflag:s6] =	dma.strided [spmem:s10@s15], $0x50, s11, $0x10   }
0x2c: {  	_ =	swait.ge [sflag:s11], $0x50  }
0x2d: {  	[sflag:s11] =	ssyncset.done $0x0  }
0x2e: {  	[sflag:s11] =	ssyncadd.s32 $0xFFFFFFB0  }
0x2f: {  	_ =	sfence.sel $0x180000  }
0x30: {  	[bflag:$0x0] =	sbarrier.arrive $0xFFFF  }
0x31: {  	p0 =	sne.s32 s1, $0x0;
	_ =	strace $0x90000047  }
0x32: {  	s0 =	sadd.s32 @!p0 $0x100000, s0;
	[bflag:$0x2] =	sbarrier.arrive $0xFFFF  }
0x33: {  	[sflag:s0] =	ssyncadd.tile.s32 @!p0 $0x1;
	_ =	shalt  }
.Lfunc_end2:
_tile_overlayer_lowered:
.L_overlay_start_2:
0x34: {  	(tag) =	ssettag $0x2  }
0x35: {  	s0 =	rddreg [dreg:$0x0];
	s2 =	stileid.u32  }
0x36: {  	s1 =	rddreg [dreg:$0x1];
	p0 =	sne.s32 s2, $0x0  }
0x37: {  	s3 =	rddreg [dreg:$0x2];
	[bflag:$0x3] =	sbarrier.arrive $0xFFFF;
	s2 =	simm.s32 @!p0 $0x1C01  }
0x38: {  	[timem:s3], [sflag:s2] =	dma.local @!p0 [hbm:s0], s1  }
0x39: {  	s0 =	simm.s32 @!p0 $0x1  }
0x3a: {  	_ =	swait.ge @!p0 [sflag:s0], s1  }
0x3b: {  	s1 =	ssub.s32 @!p0 $0x0, s1;
	[sflag:s0] =	ssyncset.done @!p0 $0x0  }
0x3c: {  	[sflag:s0] =	ssyncadd.s32 @!p0 s1  }
0x3d: {  	[bflag:$0x3] =	sbarrier.arrive $0xFFFF  }
0x3e: {  	_ =	shalt  }

// kernel: kernel.13.cloned.1.call-start
scs
__scs_entry_jumppad:
0x0: {  	(pc) =	sbr.rel $0x88, $3  }
0x1: {  	(tag) =	ssettag $0x0;
	lr =	simm.s32 $0x1  }
0x2: {  	[smem:$0x3F96] =	sst lr;
	_ =	strace $0xD0000000  }
0x3: {  	_ = 	snop  }
0x4: {  	_ = 	snop  }
0x5: {  	_ = 	snop  }
0x6: {  	_ = 	snop  }
0x7: {  	_ = 	snop  }
__scs_overlays_trampoline_lowered:
0x8: {  	[smem:$0x3FA5] =	sst s0  }
0x9: {  	[smem:$0x3FA6] =	sst s1  }
0xa: {  	[smem:$0x3FA7] =	sst s2  }
0xb: {  	[smem:$0x3FA8] =	sst s3  }
0xc: {  	[smem:$0x3FA9] =	sst s4  }
0xd: {  	[smem:$0x3FAA] =	sst s5  }
0xe: {  	[smem:$0x3FAB] =	sst s6  }
0xf: {  	[smem:$0x3FAC] =	sst s7  }
0x10: {  	[smem:$0x3FAD] =	sst s8  }
0x11: {  	[smem:$0x3FAE] =	sst s9;
	s0 =	simm.s32 @!p0 $0x0  }
0x12: {  	s1 =	sld [smem:$0x3F94];
	s0 =	simm.s32 @p0 $0x1  }
0x13: {  	[smem:$0x3FAF] =	sst s0;
	s0 =	simm.s32 @!p1 $0x0  }
0x14: {  	s2 =	sld [smem:$0x3F93];
	s0 =	simm.s32 @p1 $0x1  }
0x15: {  	[smem:$0x3FB0] =	sst s0;
	s0 =	simm.s32 @!p2 $0x0  }
0x16: {  	s3 =	sld [smem:$0x3FDB];
	s0 =	simm.s32 @p2 $0x1  }
0x17: {  	s4 =	simm.s32 $0x1BF5;
	[smem:$0x3FB2] =	sst s0  }
0x18: {  	s0 =	sld [smem:$0x3F95];
	_ =	swait.ge [sflag:s4], $0x0  }
0x19: {  	s7 =	sld [smem:$0x3F96]  }
0x1a: {  	s8 =	sadd.s32 $0xFFFFE003, lr  }
0x1b: {  	s9 =	sadd.s32 $0xFFFFFEF7, lr;
	s5 =	simm.s32 $0xFFFFFFFF;
	p2 =	slt.u32 s8, $0xFFFFF086  }
0x1c: {  	p1 =	slt.u32 s9, $0xF7A;
	s5 =	simm.s32 @!p2 $0x0  }
0x1d: {  	s5 =	simm.s32 @p1 $0x1;
	p0 =	seq.s32 s7, s2  }
0x1e: {  	s7 =	smul.u32 @!p0 $0xF7A, s2;
	p2 =	seq.s32 @!p0 s5, $0x0  }
0x1f: {  	s9 =	smul.u32 $0xF7A, s1;
	s8 =	simm.s32 @!p0 $0x1BF5;
	p2 =	por !p2, p0  }
0x20: {  	[sflag:s8] =	ssyncset.s32 @!p0 $0xFFFFF086;
	s6 =	sadd.s32 @!p0 s3, s7;
	s7 =	simm.s32 @!p0 $0x108  }
0x21: {  	s3 =	sadd.s32 s3, s9;
	s6 =	sadd.s32 @!p0 $0x88, s6;
	s7 =	simm.s32 @p2 $0x1082  }
0x22: {  	[simem:s7], [sflag:s8] =	dma.local @!p0 [hbm:s6], $0xF7A  }
0x23: {  	s9 =	sor.u32 $0xD0000000, s2;
	s6 =	simm.s32 $0x108;
	_ =	swait.ge @!p0 [sflag:s8], $0x0  }
0x24: {  	s3 =	sadd.s32 $0x88, s3;
	s6 =	simm.s32 @!p1 $0x1082;
	[sflag:s4] =	ssyncset.s32 $0xFFFFF086  }
0x25: {  	[simem:s6], [sflag:s4] =	dma.local [hbm:s3], $0xF7A  }
0x26: {  	[smem:$0x3F96] =	sst s1;
	(tag) =	ssettag s2;
	_ =	strace s9  }
0x27: {  	s1 =	sld [smem:$0x3FA6]  }
0x28: {  	s2 =	sld [smem:$0x3FA7]  }
0x29: {  	s4 =	sld [smem:$0x3FA9]  }
0x2a: {  	p0 =	seq.s32 s5, $0x0;
	s5 =	sld [smem:$0x3FAA]  }
0x2b: {  	s6 =	sld [smem:$0x3FAB]  }
0x2c: {  	s7 =	sld [smem:$0x3FAC]  }
0x2d: {  	s3 =	simm.s32 $0x108;
	s8 =	sld [smem:$0x3FAD]  }
0x2e: {  	s3 =	simm.s32 @!p0 $0x1082;
	s9 =	sld [smem:$0x3FAE]  }
0x2f: {  	lr =	sadd.s32 s0, s3;
	s0 =	sld [smem:$0x3FA5]  }
0x30: {  	s3 =	sld [smem:$0x3FA8]  }
0x31: {  	[smem:$0x3FB1] =	sst s10  }
0x32: {  	s10 =	sld [smem:$0x3FAF];
	_ =	sdelay $0x3  }
0x33: {  	p0 =	seq.s32 s10, $0x1;
	s10 =	sld [smem:$0x3FB1];
	_ =	sdelay $0x3  }
0x34: {  	[smem:$0x3FB1] =	sst s10  }
0x35: {  	s10 =	sld [smem:$0x3FB0];
	_ =	sdelay $0x3  }
0x36: {  	p1 =	seq.s32 s10, $0x1;
	s10 =	sld [smem:$0x3FB1];
	_ =	sdelay $0x3  }
0x37: {  	[smem:$0x3FB1] =	sst s10  }
0x38: {  	s10 =	sld [smem:$0x3FB2]  }
0x39: {  	_ = 	snop;
	(pc) =	sbr.ind lr, $3  }
0x3a: {  	_ = 	snop  }
0x3b: {  	_ = 	snop  }
0x3c: {  	p2 =	seq.s32 s10, $0x1;
	s10 =	sld [smem:$0x3FB1]  }
0x3d: {  	_ =	shalt  }
0x3e: {  	_ =	shalt  }
0x3f: {  	_ =	shalt  }
0x40: {  	_ =	shalt  }
0x41: {  	_ =	shalt  }
0x42: {  	_ =	shalt  }
0x43: {  	_ =	shalt  }
0x44: {  	_ =	shalt  }
0x45: {  	_ =	shalt  }
0x46: {  	_ =	shalt  }
0x47: {  	_ =	shalt  }
0x48: {  	_ =	shalt  }
0x49: {  	_ =	shalt  }
0x4a: {  	_ =	shalt  }
0x4b: {  	_ =	shalt  }
0x4c: {  	_ =	shalt  }
0x4d: {  	_ =	shalt  }
0x4e: {  	_ =	shalt  }
0x4f: {  	_ =	shalt  }
0x50: {  	_ =	shalt  }
0x51: {  	_ =	shalt  }
0x52: {  	_ =	shalt  }
0x53: {  	_ =	shalt  }
0x54: {  	_ =	shalt  }
0x55: {  	_ =	shalt  }
0x56: {  	_ =	shalt  }
0x57: {  	_ =	shalt  }
0x58: {  	_ =	shalt  }
0x59: {  	_ =	shalt  }
0x5a: {  	_ =	shalt  }
0x5b: {  	_ =	shalt  }
0x5c: {  	_ =	shalt  }
0x5d: {  	_ =	shalt  }
0x5e: {  	_ =	shalt  }
0x5f: {  	_ =	shalt  }
0x60: {  	_ =	shalt  }
0x61: {  	_ =	shalt  }
0x62: {  	_ =	shalt  }
0x63: {  	_ =	shalt  }
0x64: {  	_ =	shalt  }
0x65: {  	_ =	shalt  }
0x66: {  	_ =	shalt  }
0x67: {  	_ =	shalt  }
0x68: {  	_ =	shalt  }
0x69: {  	_ =	shalt  }
0x6a: {  	_ =	shalt  }
0x6b: {  	_ =	shalt  }
0x6c: {  	_ =	shalt  }
0x6d: {  	_ =	shalt  }
0x6e: {  	_ =	shalt  }
0x6f: {  	_ =	shalt  }
0x70: {  	_ =	shalt  }
0x71: {  	_ =	shalt  }
0x72: {  	_ =	shalt  }
0x73: {  	_ =	shalt  }
0x74: {  	_ =	shalt  }
0x75: {  	_ =	shalt  }
0x76: {  	_ =	shalt  }
0x77: {  	_ =	shalt  }
0x78: {  	_ =	shalt  }
0x79: {  	_ =	shalt  }
0x7a: {  	_ =	shalt  }
0x7b: {  	_ =	shalt  }
0x7c: {  	_ =	shalt  }
0x7d: {  	_ =	shalt  }
0x7e: {  	_ =	shalt  }
0x7f: {  	_ =	shalt  }
0x80: {  	_ =	shalt  }
0x81: {  	_ =	shalt  }
0x82: {  	_ =	shalt  }
0x83: {  	_ =	shalt  }
0x84: {  	_ =	shalt  }
0x85: {  	_ =	shalt  }
0x86: {  	_ =	shalt  }
0x87: {  	_ =	shalt  }
.Lfunc_end0:
.L_simem_size_0:
called_computation.1_lowered:
.L_overlay_start_0:
0x88: {  	s2 =	sld [smem:$0x3FD9]  }
0x89: {  	s3 =	sld [smem:$0x3FFE];
	_ =	sdelay $0x1  }
0x8a: {  	s1 =	srdreg.scid  }
0x8b: {  	s0 =	sand.u32 $0x1, s1  }
0x8c: {  	s14 =	sshll.u32 s0, $0xA;
	s2 =	sadd.s32 s3, s2  }
0x8d: {  	s2 =	sadd.s32 s2, s14  }
0x8e: {  	[smem:$0x3FBD] =	sst s2  }
0x8f: {  	_ = 	snop  }
0x90: {  	s2 =	sld [smem:$0x3FD0];
	_ =	sdelay $0x2  }
0x91: {  	s15 =	simm.s32 $0xA;
	s4 =	simm.s32 $0x10  }
0x92: {  	[smem:s4], [sflag:s15] =	dma.local [hbm:s2], $0x1  }
0x93: {  	_ =	swait.eq [sflag:s15], $0x1  }
0x94: {  	[sflag:s15] =	ssyncset.done $0x0  }
0x95: {  	[sflag:s15] =	ssyncadd.s32 $0xFFFFFFFF  }
0x96: {  	s16 =	sld [smem:$0x11];
	(tm) =	ssettm $0x1  }
0x97: {  	s17 =	sld [smem:$0x3FFB];
	_ =	sdelay $0x3  }
0x98: {  	_ =	strace s17  }
0x99: {  	s3 =	sld [smem:$0x3FFC];
	_ =	sdelay $0x3  }
0x9a: {  	_ =	strace s3  }
0x9b: {  	s3 =	sld [smem:$0x3FFD];
	_ =	sdelay $0x3  }
0x9c: {  	_ =	strace s3  }
0x9d: {  	_ =	strace $0x8FFFFFFF  }
0x9e: {  	s18 =	sld [smem:$0x3FDB];
	_ =	sdelay $0x1  }
0x9f: {  	s19 =	simm.s32 $_scs_section_size  }
0xa0: {  	s5 =	simm.s32 $_size__tile_overlayer_lowered;
	s6 =	simm.s32 $_tile_overlayer_lowered  }
0xa1: {  	s22 =	simm.s32 $0x1BFF;
	s21 =	sshll.u32 s6, $0x1;
	s3 =	sadd.s32 s19, s18  }
0xa2: {  	s7 =	simm.s32 $0x0;
	s20 =	sshll.u32 s5, $0x1;
	s5 =	sadd.s32 s21, s3  }
0xa3: {  	[timem:s7], [sflag:s22] =	dma.local [hbm:s5], s20  }
0xa4: {  	_ =	swait.ge [sflag:s22], s20  }
0xa5: {  	s4 =	ssub.s32 $0x0, s20;
	[sflag:s22] =	ssyncset.done $0x0  }
0xa6: {  	[sflag:s22] =	ssyncadd.s32 s4;
	_ =	sdelay $0x1  }
0xa7: {  	s23 =	simm.s32 $0x1B8B  }
0xa8: {  	_ =	swait.ge [sflag:s23], $0x1  }
0xa9: {  	[sflag:s23] =	ssyncset.done $0x0  }
0xaa: {  	s25 =	simm.s32 $0x1B8E;
	s24 =	sld [smem:$0x3FFE];
	[sflag:s23] =	ssyncadd.s32 $0xFFFFFFFF  }
0xab: {  	s26 =	simm.s32 $execute0_lowered;
	[smem:$0x3FD2] =	sst s25  }
0xac: {  	s5 =	sshll.u32 s26, $0x1;
	_ =	strace $0x80000049;
	[dreg:$0x1] =	wrdreg $0xFFFFFFFF  }
0xad: {  	s28 =	simm.s32 $_size_execute0_lowered;
	s3 =	sadd.s32 s3, s5;
	[dreg:$0x0] =	wrdreg $0x0  }
0xae: {  	s5 =	sshll.u32 s28, $0x1;
	[dreg:$0x2] =	wrdreg s3  }
0xaf: {  	[dreg:$0x3] =	wrdreg s5  }
0xb0: {  	[dreg:$0x4] =	wrdreg $0xC0  }
0xb1: {  	_ =	task [dreg:s7], $0x5FFFF  }
0xb2: {  	[dreg:$0x1] =	wrdreg $0xFFFFFFFF  }
0xb3: {  	[dreg:$0x0] =	wrdreg $0x60  }
0xb4: {  	[dreg:$0x2] =	wrdreg s24  }
0xb5: {  	[dreg:$0x3] =	wrdreg s16  }
0xb6: {  	[dreg:$0x4] =	wrdreg $0x90000  }
0xb7: {  	[dreg:$0x5] =	wrdreg $0x9  }
0xb8: {  	_ =	task.clear_ibuf [dreg:s7], $0x6FFFF;
	_ =	strace $0x90000049  }
0xb9: {  	s29 =	simm.s32 $0x9;
	_ =	strace $0x8000004B  }
0xba: {  	_ =	swait.ge [sflag:s29], $0x1  }
0xbb: {  	[sflag:s29] =	ssyncadd.s32 $0xFFFFFFFF  }
0xbc: {  	_ =	strace $0x9000004B  }
0xbd: {  	_ =	sfence  }
0xbe: {  	s30 =	sld [smem:$0x0];
	_ =	sdelay $0x2  }
0xbf: {  	s31 =	sshll.u32 s1, $0xD;
	s1 =	sshrl.u32 s1, $0x2  }
0xc0: {  	s3 =	sand.u32 $0x4000, s31;
	s1 =	sadd.s32 s1, s30  }
0xc1: {  	s0 =	sor.u32 s3, s0;
	s1 =	sshll.u32 s1, $0x11  }
0xc2: {  	s0 =	sor.u32 s1, s0  }
0xc3: {  	s0 =	sadd.s32 $0x8F2B, s0  }
0xc4: {  	[sflag:s0] =	ssyncadd.remote.s32 $0x1  }
0xc5: {  	_ =	sfence.sel $0xFFFF  }
0xc6: {  	[dreg:$0x0] =	wrdreg $0xFFFFFFFF;
	(pc) =	sbr.abs _section_cstart, $3  }
0xc7: {  	[dreg:$0x1] =	wrdreg $0xFFFFFFFF  }
0xc8: {  	_ =	task.clear_ibuf [dreg:s7], $0x2FFFF;
	_ =	strace $0x9FFFFFFF  }
0xc9: {  	(tm) =	ssettm $0x7FFFFFFF  }
tec
execute0_lowered:
.L_overlay_start_1:
0x0: {  	(tag) =	ssettag $0x1  }
0x1: {  	s5 =	rddreg [dreg:$0x0]  }
0x2: {  	s7 =	rddreg [dreg:$0x1]  }
0x3: {  	s2 =	rddreg [dreg:$0x2]  }
0x4: {  	s0 =	rddreg [dreg:$0x3];
	s3 =	simm.s32 $0x0;
	s1 =	stileid.u32  }
0x5: {  	s4 =	srdreg.scid;
	s15 =	simm.s32 $0x5000;
	s6 =	smul.u32 $0x2800, s1  }
0x6: {  	s16 =	simm.s32 $0x1;
	s17 =	simm.s32 $0x0;
	s8 =	smul.u32 $0x2780, s1  }
0x7: {  	[smem:$0x7FF] =	sst s3;
	s9 =	sand.u32 $0x1, s4;
	s13 =	smul.u32 $0x4F000, s1  }
0x8: {  	s4 =	sadd.s32 $0x9C00, s5;
	s31 =	sshll.u32 s1, $0x6;
	s11 =	smul.u32 $0x27800, s9  }
0x9: {  	_ =	strace $0x8000004A;
	s28 =	ssub.s32 $0x2, s9;
	s9 =	smul.u32 $0x28000, s9  }
0xa: {  	s10 =	sshrl.u32 s6, $0x3;
	s12 =	sadd.s32 s8, s5;
	s29 =	sshrl.u32 s28, $0x1  }
0xb: {  	s30 =	sshrl.u32 s13, $0x2;
	s10 =	sadd.s32 s10, s5;
	s8 =	sadd.s32 s8, s11  }
0xc: {  	s11 =	ssub.s32 s28, s29;
	s13 =	sadd.s32 s30, s2;
	s6 =	sadd.s32 s6, s9  }
0xd: {  	s14 =	sadd.s32 s8, s5;
	s5 =	sadd.s32 $0x57E00, s12;
	s9 =	sshrl.u32 s6, $0x3  }
0xe: {  	s6 =	sor.u32 $0x1C02, s31;
	s8 =	sadd.s32 $0x4C00, s10;
	s10 =	smax.u32 s11, $0x1  }
0xf: {  	s11 =	sshrl.u32 s13, $0x3;
	s12 =	simm.s32 $0x2;
	s13 =	simm.s32 $0x2800  }
0x10: {  	s7 =	sadd.s32 s7, s9;
	s9 =	sadd.s32 $0x7F600, s14;
	s14 =	simm.s32 $0x80  }
.LBB2_1:
0x11: {  	[spmem:s11], [sflag:s6] =	dma.local [hbm:s5], $0x2780  }
0x12: {  	_ =	swait.ge [sflag:s12], $0x2780  }
0x13: {  	[sflag:s12] =	ssyncset.done $0x0  }
0x14: {  	[sflag:s12] =	ssyncadd.s32 $0xFFFFD880  }
0x15: {  	[tilespmem:s3], [sflag:$0x2] =	stream.linear.gather [hbm4b:s7+s3], $0x2780, $0x38;
	[tilespmem:$0x1CC00] =	vst v63  }
0x16: {  	_ =	swait.ge [sflag:s12], $0x2780  }
0x17: {  	[sflag:s12] =	ssyncset.done $0x0  }
0x18: {  	[sflag:s12] =	ssyncadd.s32 $0xFFFFD880  }
0x19: {  	[tilespmem:s13], [sflag:$0x2] =	stream.linear.gather [hbm4b:s8+s3], $0x2780, $0x38;
	[tilespmem:$0x1CC00] =	vst v63  }
0x1a: {  	_ =	swait.ge [sflag:s12], $0x2780  }
0x1b: {  	[sflag:s12] =	ssyncset.done $0x0  }
0x1c: {  	[sflag:s12] =	ssyncadd.s32 $0xFFFFD880  }
0x1d: {  	s18 =	simm.s32 $0x0;
	[bflag:$0x0] =	sbarrier.arrive $0xFFFF  }
0x1e: {  	[tilespmem:s15], [sflag:$0x1] =	stream.indirect.gather [hbm4b:s4+s14], $0x80, s18, s14, $0xb8;
	[tilespmem:$0x1CC00] =	vst v63  }
0x1f: {  	_ =	swait.ge [sflag:s16], $0x4000  }
0x20: {  	[sflag:s16] =	ssyncset.done $0x0  }
0x21: {  	s31 =	simm.s32 $0x2800;
	[sflag:s16] =	ssyncadd.s32 $0xFFFFC000  }
0x22: {  	[spmem:s2] =	stream.indirect.scatter.add.f32 [tilespmem:s15], [sflag:$0x2], $0x80, s31, s14, $0xb8;
	[tilespmem:$0x1CC00] =	vst v63  }
0x23: {  	_ =	swait.ge [sflag:s12], $0x4000  }
0x24: {  	s19 =	simm.s32 $0x400;
	s18 =	simm.s32 $0x200;
	[sflag:s12] =	ssyncset.done $0x0  }
.LBB2_2:
0x25: {  	s20 =	sshra.s32 s18, $0x2  }
0x26: {  	[sflag:s12] =	ssyncadd.s32 $0xFFFFC000;
	s18 =	smov.u32 s19;
	s21 =	sadd.s32 $0x200, s19  }
0x27: {  	[tilespmem:s15], [sflag:$0x1] =	stream.indirect.gather [hbm4b:s4+s14], $0x80, s20, s14, $0xb8;
	[tilespmem:$0x1CC00] =	vst v63  }
0x28: {  	p0 =	sne.s32 s19, $0x9C00;
	_ =	swait.ge [sflag:s16], $0x4000  }
.Ltmp0:
0x29: {  	[sflag:s16] =	ssyncset.done $0x0;
	(pc) =	sbr.rel @p0 .LBB2_2-.Ltmp0, $4  }
0x2a: {  	s19 =	sadd.s32 $0x2800, s20;
	[sflag:s16] =	ssyncadd.s32 $0xFFFFC000  }
0x2b: {  	[spmem:s2] =	stream.indirect.scatter.add.f32 [tilespmem:s15], [sflag:$0x2], $0x80, s19, s14, $0xb8;
	[tilespmem:$0x1CC00] =	vst v63  }
0x2c: {  	_ =	swait.ge [sflag:s12], $0x4000  }
0x2d: {  	s19 =	smov.u32 s21;
	[sflag:s12] =	ssyncset.done $0x0  }
0x2e: {  	s18 =	sshra.s32 s18, $0x2;
	[sflag:s12] =	ssyncadd.s32 $0xFFFFC000  }
0x2f: {  	[tilespmem:s15], [sflag:$0x1] =	stream.indirect.gather [hbm4b:s4+s14], $0x80, s18, s14, $0xb8;
	[tilespmem:$0x1CC00] =	vst v63  }
0x30: {  	_ =	swait.ge [sflag:s16], $0x4000  }
0x31: {  	[sflag:s16] =	ssyncset.done $0x0  }
0x32: {  	s18 =	sadd.s32 $0x2800, s18;
	[sflag:s16] =	ssyncadd.s32 $0xFFFFC000  }
0x33: {  	[spmem:s2] =	stream.indirect.scatter.add.f32 [tilespmem:s15], [sflag:$0x2], $0x80, s18, s14, $0xb8;
	[tilespmem:$0x1CC00] =	vst v63  }
0x34: {  	_ =	swait.ge [sflag:s12], $0x4000  }
0x35: {  	s17 =	sadd.s32 $0x1, s17;
	[sflag:s12] =	ssyncset.done $0x0  }
0x36: {  	p0 =	sne.s32 s17, s10;
	[sflag:s12] =	ssyncadd.s32 $0xFFFFC000  }
.Ltmp1:
0x37: {  	[bflag:$0x0] =	sbarrier.arrive $0xFFFF;
	(pc) =	sbr.rel @p0 .LBB2_1-.Ltmp1, $4  }
0x38: {  	[hbm:s9], [sflag:s6] =	dma.local [spmem:s11], $0x2780  }
0x39: {  	_ =	swait.ge [sflag:s12], $0x2780  }
0x3a: {  	[sflag:s12] =	ssyncset.done $0x0  }
0x3b: {  	[sflag:s12] =	ssyncadd.s32 $0xFFFFD880  }
0x3c: {  	_ =	sfence.sel $0x180000  }
0x3d: {  	[bflag:$0x0] =	sbarrier.arrive $0xFFFF  }
0x3e: {  	p0 =	sne.s32 s1, $0x0;
	_ =	strace $0x9000004A  }
0x3f: {  	s0 =	sadd.s32 @!p0 $0x100000, s0;
	[bflag:$0x2] =	sbarrier.arrive $0xFFFF  }
0x40: {  	[sflag:s0] =	ssyncadd.tile.s32 @!p0 $0x1;
	_ =	shalt  }
.Lfunc_end2:
_tile_overlayer_lowered:
.L_overlay_start_2:
0x41: {  	(tag) =	ssettag $0x2  }
0x42: {  	s0 =	rddreg [dreg:$0x0];
	s2 =	stileid.u32  }
0x43: {  	s1 =	rddreg [dreg:$0x1];
	p0 =	sne.s32 s2, $0x0  }
0x44: {  	s3 =	rddreg [dreg:$0x2];
	[bflag:$0x3] =	sbarrier.arrive $0xFFFF;
	s2 =	simm.s32 @!p0 $0x1C02  }
0x45: {  	[timem:s3], [sflag:s2] =	dma.local @!p0 [hbm:s0], s1  }
0x46: {  	s0 =	simm.s32 @!p0 $0x2  }
0x47: {  	_ =	swait.ge @!p0 [sflag:s0], s1  }
0x48: {  	s1 =	ssub.s32 @!p0 $0x0, s1;
	[sflag:s0] =	ssyncset.done @!p0 $0x0  }
0x49: {  	[sflag:s0] =	ssyncadd.s32 @!p0 s1  }
0x4a: {  	[bflag:$0x3] =	sbarrier.arrive $0xFFFF  }
0x4b: {  	_ =	shalt  }

// kernel: kernel.16.cloned.1.call-start
scs
__scs_entry_jumppad:
0x0: {  	(pc) =	sbr.rel $0x88, $3  }
0x1: {  	(tag) =	ssettag $0x0;
	lr =	simm.s32 $0x1  }
0x2: {  	[smem:$0x3F96] =	sst lr;
	_ =	strace $0xD0000000  }
0x3: {  	_ = 	snop  }
0x4: {  	_ = 	snop  }
0x5: {  	_ = 	snop  }
0x6: {  	_ = 	snop  }
0x7: {  	_ = 	snop  }
__scs_overlays_trampoline_lowered:
0x8: {  	[smem:$0x3FA5] =	sst s0  }
0x9: {  	[smem:$0x3FA6] =	sst s1  }
0xa: {  	[smem:$0x3FA7] =	sst s2  }
0xb: {  	[smem:$0x3FA8] =	sst s3  }
0xc: {  	[smem:$0x3FA9] =	sst s4  }
0xd: {  	[smem:$0x3FAA] =	sst s5  }
0xe: {  	[smem:$0x3FAB] =	sst s6  }
0xf: {  	[smem:$0x3FAC] =	sst s7  }
0x10: {  	[smem:$0x3FAD] =	sst s8  }
0x11: {  	[smem:$0x3FAE] =	sst s9;
	s0 =	simm.s32 @!p0 $0x0  }
0x12: {  	s1 =	sld [smem:$0x3F94];
	s0 =	simm.s32 @p0 $0x1  }
0x13: {  	[smem:$0x3FAF] =	sst s0;
	s0 =	simm.s32 @!p1 $0x0  }
0x14: {  	s2 =	sld [smem:$0x3F93];
	s0 =	simm.s32 @p1 $0x1  }
0x15: {  	[smem:$0x3FB0] =	sst s0;
	s0 =	simm.s32 @!p2 $0x0  }
0x16: {  	s3 =	sld [smem:$0x3FDB];
	s0 =	simm.s32 @p2 $0x1  }
0x17: {  	s4 =	simm.s32 $0x1BF5;
	[smem:$0x3FB2] =	sst s0  }
0x18: {  	s0 =	sld [smem:$0x3F95];
	_ =	swait.ge [sflag:s4], $0x0  }
0x19: {  	s7 =	sld [smem:$0x3F96]  }
0x1a: {  	s8 =	sadd.s32 $0xFFFFE003, lr  }
0x1b: {  	s9 =	sadd.s32 $0xFFFFFEF7, lr;
	s5 =	simm.s32 $0xFFFFFFFF;
	p2 =	slt.u32 s8, $0xFFFFF086  }
0x1c: {  	p1 =	slt.u32 s9, $0xF7A;
	s5 =	simm.s32 @!p2 $0x0  }
0x1d: {  	s5 =	simm.s32 @p1 $0x1;
	p0 =	seq.s32 s7, s2  }
0x1e: {  	s7 =	smul.u32 @!p0 $0xF7A, s2;
	p2 =	seq.s32 @!p0 s5, $0x0  }
0x1f: {  	s9 =	smul.u32 $0xF7A, s1;
	s8 =	simm.s32 @!p0 $0x1BF5;
	p2 =	por !p2, p0  }
0x20: {  	[sflag:s8] =	ssyncset.s32 @!p0 $0xFFFFF086;
	s6 =	sadd.s32 @!p0 s3, s7;
	s7 =	simm.s32 @!p0 $0x108  }
0x21: {  	s3 =	sadd.s32 s3, s9;
	s6 =	sadd.s32 @!p0 $0x88, s6;
	s7 =	simm.s32 @p2 $0x1082  }
0x22: {  	[simem:s7], [sflag:s8] =	dma.local @!p0 [hbm:s6], $0xF7A  }
0x23: {  	s9 =	sor.u32 $0xD0000000, s2;
	s6 =	simm.s32 $0x108;
	_ =	swait.ge @!p0 [sflag:s8], $0x0  }
0x24: {  	s3 =	sadd.s32 $0x88, s3;
	s6 =	simm.s32 @!p1 $0x1082;
	[sflag:s4] =	ssyncset.s32 $0xFFFFF086  }
0x25: {  	[simem:s6], [sflag:s4] =	dma.local [hbm:s3], $0xF7A  }
0x26: {  	[smem:$0x3F96] =	sst s1;
	(tag) =	ssettag s2;
	_ =	strace s9  }
0x27: {  	s1 =	sld [smem:$0x3FA6]  }
0x28: {  	s2 =	sld [smem:$0x3FA7]  }
0x29: {  	s4 =	sld [smem:$0x3FA9]  }
0x2a: {  	p0 =	seq.s32 s5, $0x0;
	s5 =	sld [smem:$0x3FAA]  }
0x2b: {  	s6 =	sld [smem:$0x3FAB]  }
0x2c: {  	s7 =	sld [smem:$0x3FAC]  }
0x2d: {  	s3 =	simm.s32 $0x108;
	s8 =	sld [smem:$0x3FAD]  }
0x2e: {  	s3 =	simm.s32 @!p0 $0x1082;
	s9 =	sld [smem:$0x3FAE]  }
0x2f: {  	lr =	sadd.s32 s0, s3;
	s0 =	sld [smem:$0x3FA5]  }
0x30: {  	s3 =	sld [smem:$0x3FA8]  }
0x31: {  	[smem:$0x3FB1] =	sst s10  }
0x32: {  	s10 =	sld [smem:$0x3FAF];
	_ =	sdelay $0x3  }
0x33: {  	p0 =	seq.s32 s10, $0x1;
	s10 =	sld [smem:$0x3FB1];
	_ =	sdelay $0x3  }
0x34: {  	[smem:$0x3FB1] =	sst s10  }
0x35: {  	s10 =	sld [smem:$0x3FB0];
	_ =	sdelay $0x3  }
0x36: {  	p1 =	seq.s32 s10, $0x1;
	s10 =	sld [smem:$0x3FB1];
	_ =	sdelay $0x3  }
0x37: {  	[smem:$0x3FB1] =	sst s10  }
0x38: {  	s10 =	sld [smem:$0x3FB2]  }
0x39: {  	_ = 	snop;
	(pc) =	sbr.ind lr, $3  }
0x3a: {  	_ = 	snop  }
0x3b: {  	_ = 	snop  }
0x3c: {  	p2 =	seq.s32 s10, $0x1;
	s10 =	sld [smem:$0x3FB1]  }
0x3d: {  	_ =	shalt  }
0x3e: {  	_ =	shalt  }
0x3f: {  	_ =	shalt  }
0x40: {  	_ =	shalt  }
0x41: {  	_ =	shalt  }
0x42: {  	_ =	shalt  }
0x43: {  	_ =	shalt  }
0x44: {  	_ =	shalt  }
0x45: {  	_ =	shalt  }
0x46: {  	_ =	shalt  }
0x47: {  	_ =	shalt  }
0x48: {  	_ =	shalt  }
0x49: {  	_ =	shalt  }
0x4a: {  	_ =	shalt  }
0x4b: {  	_ =	shalt  }
0x4c: {  	_ =	shalt  }
0x4d: {  	_ =	shalt  }
0x4e: {  	_ =	shalt  }
0x4f: {  	_ =	shalt  }
0x50: {  	_ =	shalt  }
0x51: {  	_ =	shalt  }
0x52: {  	_ =	shalt  }
0x53: {  	_ =	shalt  }
0x54: {  	_ =	shalt  }
0x55: {  	_ =	shalt  }
0x56: {  	_ =	shalt  }
0x57: {  	_ =	shalt  }
0x58: {  	_ =	shalt  }
0x59: {  	_ =	shalt  }
0x5a: {  	_ =	shalt  }
0x5b: {  	_ =	shalt  }
0x5c: {  	_ =	shalt  }
0x5d: {  	_ =	shalt  }
0x5e: {  	_ =	shalt  }
0x5f: {  	_ =	shalt  }
0x60: {  	_ =	shalt  }
0x61: {  	_ =	shalt  }
0x62: {  	_ =	shalt  }
0x63: {  	_ =	shalt  }
0x64: {  	_ =	shalt  }
0x65: {  	_ =	shalt  }
0x66: {  	_ =	shalt  }
0x67: {  	_ =	shalt  }
0x68: {  	_ =	shalt  }
0x69: {  	_ =	shalt  }
0x6a: {  	_ =	shalt  }
0x6b: {  	_ =	shalt  }
0x6c: {  	_ =	shalt  }
0x6d: {  	_ =	shalt  }
0x6e: {  	_ =	shalt  }
0x6f: {  	_ =	shalt  }
0x70: {  	_ =	shalt  }
0x71: {  	_ =	shalt  }
0x72: {  	_ =	shalt  }
0x73: {  	_ =	shalt  }
0x74: {  	_ =	shalt  }
0x75: {  	_ =	shalt  }
0x76: {  	_ =	shalt  }
0x77: {  	_ =	shalt  }
0x78: {  	_ =	shalt  }
0x79: {  	_ =	shalt  }
0x7a: {  	_ =	shalt  }
0x7b: {  	_ =	shalt  }
0x7c: {  	_ =	shalt  }
0x7d: {  	_ =	shalt  }
0x7e: {  	_ =	shalt  }
0x7f: {  	_ =	shalt  }
0x80: {  	_ =	shalt  }
0x81: {  	_ =	shalt  }
0x82: {  	_ =	shalt  }
0x83: {  	_ =	shalt  }
0x84: {  	_ =	shalt  }
0x85: {  	_ =	shalt  }
0x86: {  	_ =	shalt  }
0x87: {  	_ =	shalt  }
.Lfunc_end0:
.L_simem_size_0:
called_computation.2_lowered:
.L_overlay_start_0:
0x88: {  	s2 =	sld [smem:$0x3FD9]  }
0x89: {  	s3 =	sld [smem:$0x3FFE];
	_ =	sdelay $0x1  }
0x8a: {  	s1 =	srdreg.scid  }
0x8b: {  	s0 =	sand.u32 $0x1, s1  }
0x8c: {  	s14 =	sshll.u32 s0, $0xA;
	s2 =	sadd.s32 s3, s2  }
0x8d: {  	s2 =	sadd.s32 s2, s14  }
0x8e: {  	[smem:$0x3FBD] =	sst s2  }
0x8f: {  	_ = 	snop  }
0x90: {  	s2 =	sld [smem:$0x3FD0];
	_ =	sdelay $0x2  }
0x91: {  	s15 =	simm.s32 $0xA;
	s4 =	simm.s32 $0x10  }
0x92: {  	[smem:s4], [sflag:s15] =	dma.local [hbm:s2], $0x1  }
0x93: {  	_ =	swait.eq [sflag:s15], $0x1  }
0x94: {  	[sflag:s15] =	ssyncset.done $0x0  }
0x95: {  	[sflag:s15] =	ssyncadd.s32 $0xFFFFFFFF  }
0x96: {  	s16 =	sld [smem:$0x11];
	(tm) =	ssettm $0x1  }
0x97: {  	s17 =	sld [smem:$0x3FFB];
	_ =	sdelay $0x3  }
0x98: {  	_ =	strace s17  }
0x99: {  	s3 =	sld [smem:$0x3FFC];
	_ =	sdelay $0x3  }
0x9a: {  	_ =	strace s3  }
0x9b: {  	s3 =	sld [smem:$0x3FFD];
	_ =	sdelay $0x3  }
0x9c: {  	_ =	strace s3  }
0x9d: {  	_ =	strace $0x8FFFFFFF  }
0x9e: {  	s18 =	sld [smem:$0x3FDB];
	_ =	sdelay $0x1  }
0x9f: {  	s19 =	simm.s32 $_scs_section_size  }
0xa0: {  	s5 =	simm.s32 $_size__tile_overlayer_lowered;
	s6 =	simm.s32 $_tile_overlayer_lowered  }
0xa1: {  	s22 =	simm.s32 $0x1BFF;
	s21 =	sshll.u32 s6, $0x1;
	s3 =	sadd.s32 s19, s18  }
0xa2: {  	s7 =	simm.s32 $0x0;
	s20 =	sshll.u32 s5, $0x1;
	s5 =	sadd.s32 s21, s3  }
0xa3: {  	[timem:s7], [sflag:s22] =	dma.local [hbm:s5], s20  }
0xa4: {  	_ =	swait.ge [sflag:s22], s20  }
0xa5: {  	s4 =	ssub.s32 $0x0, s20;
	[sflag:s22] =	ssyncset.done $0x0  }
0xa6: {  	[sflag:s22] =	ssyncadd.s32 s4;
	_ =	sdelay $0x1  }
0xa7: {  	s23 =	simm.s32 $0x1B8B  }
0xa8: {  	_ =	swait.ge [sflag:s23], $0x1  }
0xa9: {  	[sflag:s23] =	ssyncset.done $0x0  }
0xaa: {  	s25 =	simm.s32 $0x1B8E;
	s24 =	sld [smem:$0x3FFE];
	[sflag:s23] =	ssyncadd.s32 $0xFFFFFFFF  }
0xab: {  	s26 =	simm.s32 $execute0_lowered;
	[smem:$0x3FD2] =	sst s25  }
0xac: {  	s5 =	sshll.u32 s26, $0x1;
	_ =	strace $0x8000004C;
	[dreg:$0x1] =	wrdreg $0xFFFFFFFF  }
0xad: {  	s28 =	simm.s32 $_size_execute0_lowered;
	s3 =	sadd.s32 s3, s5;
	[dreg:$0x0] =	wrdreg $0x0  }
0xae: {  	s5 =	sshll.u32 s28, $0x1;
	[dreg:$0x2] =	wrdreg s3  }
0xaf: {  	[dreg:$0x3] =	wrdreg s5  }
0xb0: {  	[dreg:$0x4] =	wrdreg $0xC0  }
0xb1: {  	_ =	task [dreg:s7], $0x5FFFF  }
0xb2: {  	[dreg:$0x1] =	wrdreg $0xFFFFFFFF  }
0xb3: {  	[dreg:$0x0] =	wrdreg $0x60  }
0xb4: {  	[dreg:$0x2] =	wrdreg s24  }
0xb5: {  	[dreg:$0x3] =	wrdreg s16  }
0xb6: {  	[dreg:$0x4] =	wrdreg $0x90000  }
0xb7: {  	[dreg:$0x5] =	wrdreg $0x9  }
0xb8: {  	_ =	task.clear_ibuf [dreg:s7], $0x6FFFF;
	_ =	strace $0x9000004C  }
0xb9: {  	s29 =	simm.s32 $0x9;
	_ =	strace $0x8000004E  }
0xba: {  	_ =	swait.ge [sflag:s29], $0x1  }
0xbb: {  	[sflag:s29] =	ssyncadd.s32 $0xFFFFFFFF  }
0xbc: {  	_ =	strace $0x9000004E  }
0xbd: {  	_ =	sfence  }
0xbe: {  	s30 =	sld [smem:$0x0];
	_ =	sdelay $0x2  }
0xbf: {  	s31 =	sshll.u32 s1, $0xD;
	s1 =	sshrl.u32 s1, $0x2  }
0xc0: {  	s3 =	sand.u32 $0x4000, s31;
	s1 =	sadd.s32 s1, s30  }
0xc1: {  	s0 =	sor.u32 s3, s0;
	s1 =	sshll.u32 s1, $0x11  }
0xc2: {  	s0 =	sor.u32 s1, s0  }
0xc3: {  	s0 =	sadd.s32 $0x8F2B, s0  }
0xc4: {  	[sflag:s0] =	ssyncadd.remote.s32 $0x1  }
0xc5: {  	_ =	sfence.sel $0xFFFF  }
0xc6: {  	[dreg:$0x0] =	wrdreg $0xFFFFFFFF;
	(pc) =	sbr.abs _section_cstart, $3  }
0xc7: {  	[dreg:$0x1] =	wrdreg $0xFFFFFFFF  }
0xc8: {  	_ =	task.clear_ibuf [dreg:s7], $0x2FFFF;
	_ =	strace $0x9FFFFFFF  }
0xc9: {  	(tm) =	ssettm $0x7FFFFFFF  }
tec
execute0_lowered:
.L_overlay_start_1:
0x0: {  	(tag) =	ssettag $0x1  }
0x1: {  	s5 =	rddreg [dreg:$0x0]  }
0x2: {  	s7 =	rddreg [dreg:$0x1]  }
0x3: {  	s2 =	rddreg [dreg:$0x2]  }
0x4: {  	s0 =	rddreg [dreg:$0x3];
	s3 =	simm.s32 $0x0;
	s1 =	stileid.u32  }
0x5: {  	s4 =	srdreg.scid;
	s15 =	simm.s32 $0x5000;
	s6 =	smul.u32 $0x2800, s1  }
0x6: {  	s16 =	simm.s32 $0x1;
	s17 =	simm.s32 $0x0;
	s8 =	smul.u32 $0x2780, s1  }
0x7: {  	[smem:$0x7FF] =	sst s3;
	s9 =	sand.u32 $0x1, s4;
	s13 =	smul.u32 $0x4F000, s1  }
0x8: {  	s4 =	sadd.s32 $0x9C00, s5;
	s31 =	sshll.u32 s1, $0x6;
	s11 =	smul.u32 $0x27800, s9  }
0x9: {  	_ =	strace $0x8000004D;
	s28 =	ssub.s32 $0x2, s9;
	s9 =	smul.u32 $0x28000, s9  }
0xa: {  	s10 =	sshrl.u32 s6, $0x3;
	s12 =	sadd.s32 s8, s5;
	s29 =	sshrl.u32 s28, $0x1  }
0xb: {  	s30 =	sshrl.u32 s13, $0x2;
	s10 =	sadd.s32 s10, s5;
	s8 =	sadd.s32 s8, s11  }
0xc: {  	s11 =	ssub.s32 s28, s29;
	s13 =	sadd.s32 s30, s2;
	s6 =	sadd.s32 s6, s9  }
0xd: {  	s14 =	sadd.s32 s8, s5;
	s5 =	sadd.s32 $0x57E00, s12;
	s9 =	sshrl.u32 s6, $0x3  }
0xe: {  	s6 =	sor.u32 $0x1C02, s31;
	s8 =	sadd.s32 $0x4C00, s10;
	s10 =	smax.u32 s11, $0x1  }
0xf: {  	s11 =	sshrl.u32 s13, $0x3;
	s12 =	simm.s32 $0x2;
	s13 =	simm.s32 $0x2800  }
0x10: {  	s7 =	sadd.s32 s7, s9;
	s9 =	sadd.s32 $0x7F600, s14;
	s14 =	simm.s32 $0x80  }
.LBB2_1:
0x11: {  	[spmem:s11], [sflag:s6] =	dma.local [hbm:s5], $0x2780  }
0x12: {  	_ =	swait.ge [sflag:s12], $0x2780  }
0x13: {  	[sflag:s12] =	ssyncset.done $0x0  }
0x14: {  	[sflag:s12] =	ssyncadd.s32 $0xFFFFD880  }
0x15: {  	[tilespmem:s3], [sflag:$0x2] =	stream.linear.gather [hbm4b:s7+s3], $0x2780, $0x38;
	[tilespmem:$0x1CC00] =	vst v63  }
0x16: {  	_ =	swait.ge [sflag:s12], $0x2780  }
0x17: {  	[sflag:s12] =	ssyncset.done $0x0  }
0x18: {  	[sflag:s12] =	ssyncadd.s32 $0xFFFFD880  }
0x19: {  	[tilespmem:s13], [sflag:$0x2] =	stream.linear.gather [hbm4b:s8+s3], $0x2780, $0x38;
	[tilespmem:$0x1CC00] =	vst v63  }
0x1a: {  	_ =	swait.ge [sflag:s12], $0x2780  }
0x1b: {  	[sflag:s12] =	ssyncset.done $0x0  }
0x1c: {  	[sflag:s12] =	ssyncadd.s32 $0xFFFFD880  }
0x1d: {  	s18 =	simm.s32 $0x0;
	[bflag:$0x0] =	sbarrier.arrive $0xFFFF  }
0x1e: {  	[tilespmem:s15], [sflag:$0x1] =	stream.indirect.gather [hbm4b:s4+s14], $0x80, s18, s14, $0xb8;
	[tilespmem:$0x1CC00] =	vst v63  }
0x1f: {  	_ =	swait.ge [sflag:s16], $0x4000  }
0x20: {  	[sflag:s16] =	ssyncset.done $0x0  }
0x21: {  	s31 =	simm.s32 $0x2800;
	[sflag:s16] =	ssyncadd.s32 $0xFFFFC000  }
0x22: {  	[spmem:s2] =	stream.indirect.scatter.add.f32 [tilespmem:s15], [sflag:$0x2], $0x80, s31, s14, $0xb8;
	[tilespmem:$0x1CC00] =	vst v63  }
0x23: {  	_ =	swait.ge [sflag:s12], $0x4000  }
0x24: {  	s19 =	simm.s32 $0x400;
	s18 =	simm.s32 $0x200;
	[sflag:s12] =	ssyncset.done $0x0  }
.LBB2_2:
0x25: {  	s20 =	sshra.s32 s18, $0x2  }
0x26: {  	[sflag:s12] =	ssyncadd.s32 $0xFFFFC000;
	s18 =	smov.u32 s19;
	s21 =	sadd.s32 $0x200, s19  }
0x27: {  	[tilespmem:s15], [sflag:$0x1] =	stream.indirect.gather [hbm4b:s4+s14], $0x80, s20, s14, $0xb8;
	[tilespmem:$0x1CC00] =	vst v63  }
0x28: {  	p0 =	sne.s32 s19, $0x9C00;
	_ =	swait.ge [sflag:s16], $0x4000  }
.Ltmp0:
0x29: {  	[sflag:s16] =	ssyncset.done $0x0;
	(pc) =	sbr.rel @p0 .LBB2_2-.Ltmp0, $4  }
0x2a: {  	s19 =	sadd.s32 $0x2800, s20;
	[sflag:s16] =	ssyncadd.s32 $0xFFFFC000  }
0x2b: {  	[spmem:s2] =	stream.indirect.scatter.add.f32 [tilespmem:s15], [sflag:$0x2], $0x80, s19, s14, $0xb8;
	[tilespmem:$0x1CC00] =	vst v63  }
0x2c: {  	_ =	swait.ge [sflag:s12], $0x4000  }
0x2d: {  	s19 =	smov.u32 s21;
	[sflag:s12] =	ssyncset.done $0x0  }
0x2e: {  	s18 =	sshra.s32 s18, $0x2;
	[sflag:s12] =	ssyncadd.s32 $0xFFFFC000  }
0x2f: {  	[tilespmem:s15], [sflag:$0x1] =	stream.indirect.gather [hbm4b:s4+s14], $0x80, s18, s14, $0xb8;
	[tilespmem:$0x1CC00] =	vst v63  }
0x30: {  	_ =	swait.ge [sflag:s16], $0x4000  }
0x31: {  	[sflag:s16] =	ssyncset.done $0x0  }
0x32: {  	s18 =	sadd.s32 $0x2800, s18;
	[sflag:s16] =	ssyncadd.s32 $0xFFFFC000  }
0x33: {  	[spmem:s2] =	stream.indirect.scatter.add.f32 [tilespmem:s15], [sflag:$0x2], $0x80, s18, s14, $0xb8;
	[tilespmem:$0x1CC00] =	vst v63  }
0x34: {  	_ =	swait.ge [sflag:s12], $0x4000  }
0x35: {  	s17 =	sadd.s32 $0x1, s17;
	[sflag:s12] =	ssyncset.done $0x0  }
0x36: {  	p0 =	sne.s32 s17, s10;
	[sflag:s12] =	ssyncadd.s32 $0xFFFFC000  }
.Ltmp1:
0x37: {  	[bflag:$0x0] =	sbarrier.arrive $0xFFFF;
	(pc) =	sbr.rel @p0 .LBB2_1-.Ltmp1, $4  }
0x38: {  	[hbm:s9], [sflag:s6] =	dma.local [spmem:s11], $0x2780  }
0x39: {  	_ =	swait.ge [sflag:s12], $0x2780  }
0x3a: {  	[sflag:s12] =	ssyncset.done $0x0  }
0x3b: {  	[sflag:s12] =	ssyncadd.s32 $0xFFFFD880  }
0x3c: {  	_ =	sfence.sel $0x180000  }
0x3d: {  	[bflag:$0x0] =	sbarrier.arrive $0xFFFF  }
0x3e: {  	p0 =	sne.s32 s1, $0x0;
	_ =	strace $0x9000004D  }
0x3f: {  	s0 =	sadd.s32 @!p0 $0x100000, s0;
	[bflag:$0x2] =	sbarrier.arrive $0xFFFF  }
0x40: {  	[sflag:s0] =	ssyncadd.tile.s32 @!p0 $0x1;
	_ =	shalt  }
.Lfunc_end2:
_tile_overlayer_lowered:
.L_overlay_start_2:
0x41: {  	(tag) =	ssettag $0x2  }
0x42: {  	s0 =	rddreg [dreg:$0x0];
	s2 =	stileid.u32  }
0x43: {  	s1 =	rddreg [dreg:$0x1];
	p0 =	sne.s32 s2, $0x0  }
0x44: {  	s3 =	rddreg [dreg:$0x2];
	[bflag:$0x3] =	sbarrier.arrive $0xFFFF;
	s2 =	simm.s32 @!p0 $0x1C02  }
0x45: {  	[timem:s3], [sflag:s2] =	dma.local @!p0 [hbm:s0], s1  }
0x46: {  	s0 =	simm.s32 @!p0 $0x2  }
0x47: {  	_ =	swait.ge @!p0 [sflag:s0], s1  }
0x48: {  	s1 =	ssub.s32 @!p0 $0x0, s1;
	[sflag:s0] =	ssyncset.done @!p0 $0x0  }
0x49: {  	[sflag:s0] =	ssyncadd.s32 @!p0 s1  }
0x4a: {  	[bflag:$0x3] =	sbarrier.arrive $0xFFFF  }
0x4b: {  	_ =	shalt  }

// kernel: kernel.19.cloned.1.call-start
scs
__scs_entry_jumppad:
0x0: {  	(pc) =	sbr.rel $0x88, $3  }
0x1: {  	(tag) =	ssettag $0x0;
	lr =	simm.s32 $0x1  }
0x2: {  	[smem:$0x3F96] =	sst lr;
	_ =	strace $0xD0000000  }
0x3: {  	_ = 	snop  }
0x4: {  	_ = 	snop  }
0x5: {  	_ = 	snop  }
0x6: {  	_ = 	snop  }
0x7: {  	_ = 	snop  }
__scs_overlays_trampoline_lowered:
0x8: {  	[smem:$0x3FA5] =	sst s0  }
0x9: {  	[smem:$0x3FA6] =	sst s1  }
0xa: {  	[smem:$0x3FA7] =	sst s2  }
0xb: {  	[smem:$0x3FA8] =	sst s3  }
0xc: {  	[smem:$0x3FA9] =	sst s4  }
0xd: {  	[smem:$0x3FAA] =	sst s5  }
0xe: {  	[smem:$0x3FAB] =	sst s6  }
0xf: {  	[smem:$0x3FAC] =	sst s7  }
0x10: {  	[smem:$0x3FAD] =	sst s8  }
0x11: {  	[smem:$0x3FAE] =	sst s9;
	s0 =	simm.s32 @!p0 $0x0  }
0x12: {  	s1 =	sld [smem:$0x3F94];
	s0 =	simm.s32 @p0 $0x1  }
0x13: {  	[smem:$0x3FAF] =	sst s0;
	s0 =	simm.s32 @!p1 $0x0  }
0x14: {  	s2 =	sld [smem:$0x3F93];
	s0 =	simm.s32 @p1 $0x1  }
0x15: {  	[smem:$0x3FB0] =	sst s0;
	s0 =	simm.s32 @!p2 $0x0  }
0x16: {  	s3 =	sld [smem:$0x3FDB];
	s0 =	simm.s32 @p2 $0x1  }
0x17: {  	s4 =	simm.s32 $0x1BF5;
	[smem:$0x3FB2] =	sst s0  }
0x18: {  	s0 =	sld [smem:$0x3F95];
	_ =	swait.ge [sflag:s4], $0x0  }
0x19: {  	s7 =	sld [smem:$0x3F96]  }
0x1a: {  	s8 =	sadd.s32 $0xFFFFE003, lr  }
0x1b: {  	s9 =	sadd.s32 $0xFFFFFEF7, lr;
	s5 =	simm.s32 $0xFFFFFFFF;
	p2 =	slt.u32 s8, $0xFFFFF086  }
0x1c: {  	p1 =	slt.u32 s9, $0xF7A;
	s5 =	simm.s32 @!p2 $0x0  }
0x1d: {  	s5 =	simm.s32 @p1 $0x1;
	p0 =	seq.s32 s7, s2  }
0x1e: {  	s7 =	smul.u32 @!p0 $0xF7A, s2;
	p2 =	seq.s32 @!p0 s5, $0x0  }
0x1f: {  	s9 =	smul.u32 $0xF7A, s1;
	s8 =	simm.s32 @!p0 $0x1BF5;
	p2 =	por !p2, p0  }
0x20: {  	[sflag:s8] =	ssyncset.s32 @!p0 $0xFFFFF086;
	s6 =	sadd.s32 @!p0 s3, s7;
	s7 =	simm.s32 @!p0 $0x108  }
0x21: {  	s3 =	sadd.s32 s3, s9;
	s6 =	sadd.s32 @!p0 $0x88, s6;
	s7 =	simm.s32 @p2 $0x1082  }
0x22: {  	[simem:s7], [sflag:s8] =	dma.local @!p0 [hbm:s6], $0xF7A  }
0x23: {  	s9 =	sor.u32 $0xD0000000, s2;
	s6 =	simm.s32 $0x108;
	_ =	swait.ge @!p0 [sflag:s8], $0x0  }
0x24: {  	s3 =	sadd.s32 $0x88, s3;
	s6 =	simm.s32 @!p1 $0x1082;
	[sflag:s4] =	ssyncset.s32 $0xFFFFF086  }
0x25: {  	[simem:s6], [sflag:s4] =	dma.local [hbm:s3], $0xF7A  }
0x26: {  	[smem:$0x3F96] =	sst s1;
	(tag) =	ssettag s2;
	_ =	strace s9  }
0x27: {  	s1 =	sld [smem:$0x3FA6]  }
0x28: {  	s2 =	sld [smem:$0x3FA7]  }
0x29: {  	s4 =	sld [smem:$0x3FA9]  }
0x2a: {  	p0 =	seq.s32 s5, $0x0;
	s5 =	sld [smem:$0x3FAA]  }
0x2b: {  	s6 =	sld [smem:$0x3FAB]  }
0x2c: {  	s7 =	sld [smem:$0x3FAC]  }
0x2d: {  	s3 =	simm.s32 $0x108;
	s8 =	sld [smem:$0x3FAD]  }
0x2e: {  	s3 =	simm.s32 @!p0 $0x1082;
	s9 =	sld [smem:$0x3FAE]  }
0x2f: {  	lr =	sadd.s32 s0, s3;
	s0 =	sld [smem:$0x3FA5]  }
0x30: {  	s3 =	sld [smem:$0x3FA8]  }
0x31: {  	[smem:$0x3FB1] =	sst s10  }
0x32: {  	s10 =	sld [smem:$0x3FAF];
	_ =	sdelay $0x3  }
0x33: {  	p0 =	seq.s32 s10, $0x1;
	s10 =	sld [smem:$0x3FB1];
	_ =	sdelay $0x3  }
0x34: {  	[smem:$0x3FB1] =	sst s10  }
0x35: {  	s10 =	sld [smem:$0x3FB0];
	_ =	sdelay $0x3  }
0x36: {  	p1 =	seq.s32 s10, $0x1;
	s10 =	sld [smem:$0x3FB1];
	_ =	sdelay $0x3  }
0x37: {  	[smem:$0x3FB1] =	sst s10  }
0x38: {  	s10 =	sld [smem:$0x3FB2]  }
0x39: {  	_ = 	snop;
	(pc) =	sbr.ind lr, $3  }
0x3a: {  	_ = 	snop  }
0x3b: {  	_ = 	snop  }
0x3c: {  	p2 =	seq.s32 s10, $0x1;
	s10 =	sld [smem:$0x3FB1]  }
0x3d: {  	_ =	shalt  }
0x3e: {  	_ =	shalt  }
0x3f: {  	_ =	shalt  }
0x40: {  	_ =	shalt  }
0x41: {  	_ =	shalt  }
0x42: {  	_ =	shalt  }
0x43: {  	_ =	shalt  }
0x44: {  	_ =	shalt  }
0x45: {  	_ =	shalt  }
0x46: {  	_ =	shalt  }
0x47: {  	_ =	shalt  }
0x48: {  	_ =	shalt  }
0x49: {  	_ =	shalt  }
0x4a: {  	_ =	shalt  }
0x4b: {  	_ =	shalt  }
0x4c: {  	_ =	shalt  }
0x4d: {  	_ =	shalt  }
0x4e: {  	_ =	shalt  }
0x4f: {  	_ =	shalt  }
0x50: {  	_ =	shalt  }
0x51: {  	_ =	shalt  }
0x52: {  	_ =	shalt  }
0x53: {  	_ =	shalt  }
0x54: {  	_ =	shalt  }
0x55: {  	_ =	shalt  }
0x56: {  	_ =	shalt  }
0x57: {  	_ =	shalt  }
0x58: {  	_ =	shalt  }
0x59: {  	_ =	shalt  }
0x5a: {  	_ =	shalt  }
0x5b: {  	_ =	shalt  }
0x5c: {  	_ =	shalt  }
0x5d: {  	_ =	shalt  }
0x5e: {  	_ =	shalt  }
0x5f: {  	_ =	shalt  }
0x60: {  	_ =	shalt  }
0x61: {  	_ =	shalt  }
0x62: {  	_ =	shalt  }
0x63: {  	_ =	shalt  }
0x64: {  	_ =	shalt  }
0x65: {  	_ =	shalt  }
0x66: {  	_ =	shalt  }
0x67: {  	_ =	shalt  }
0x68: {  	_ =	shalt  }
0x69: {  	_ =	shalt  }
0x6a: {  	_ =	shalt  }
0x6b: {  	_ =	shalt  }
0x6c: {  	_ =	shalt  }
0x6d: {  	_ =	shalt  }
0x6e: {  	_ =	shalt  }
0x6f: {  	_ =	shalt  }
0x70: {  	_ =	shalt  }
0x71: {  	_ =	shalt  }
0x72: {  	_ =	shalt  }
0x73: {  	_ =	shalt  }
0x74: {  	_ =	shalt  }
0x75: {  	_ =	shalt  }
0x76: {  	_ =	shalt  }
0x77: {  	_ =	shalt  }
0x78: {  	_ =	shalt  }
0x79: {  	_ =	shalt  }
0x7a: {  	_ =	shalt  }
0x7b: {  	_ =	shalt  }
0x7c: {  	_ =	shalt  }
0x7d: {  	_ =	shalt  }
0x7e: {  	_ =	shalt  }
0x7f: {  	_ =	shalt  }
0x80: {  	_ =	shalt  }
0x81: {  	_ =	shalt  }
0x82: {  	_ =	shalt  }
0x83: {  	_ =	shalt  }
0x84: {  	_ =	shalt  }
0x85: {  	_ =	shalt  }
0x86: {  	_ =	shalt  }
0x87: {  	_ =	shalt  }
.Lfunc_end0:
.L_simem_size_0:
called_computation.3_lowered:
.L_overlay_start_0:
0x88: {  	s2 =	sld [smem:$0x3FD9]  }
0x89: {  	s3 =	sld [smem:$0x3FFE];
	_ =	sdelay $0x1  }
0x8a: {  	s1 =	srdreg.scid  }
0x8b: {  	s0 =	sand.u32 $0x1, s1  }
0x8c: {  	s14 =	sshll.u32 s0, $0xA;
	s2 =	sadd.s32 s3, s2  }
0x8d: {  	s2 =	sadd.s32 s2, s14  }
0x8e: {  	[smem:$0x3FBD] =	sst s2  }
0x8f: {  	_ = 	snop  }
0x90: {  	s2 =	sld [smem:$0x3FD0];
	_ =	sdelay $0x2  }
0x91: {  	s15 =	simm.s32 $0xA;
	s4 =	simm.s32 $0x10  }
0x92: {  	[smem:s4], [sflag:s15] =	dma.local [hbm:s2], $0x1  }
0x93: {  	_ =	swait.eq [sflag:s15], $0x1  }
0x94: {  	[sflag:s15] =	ssyncset.done $0x0  }
0x95: {  	[sflag:s15] =	ssyncadd.s32 $0xFFFFFFFF  }
0x96: {  	s16 =	sld [smem:$0x11];
	(tm) =	ssettm $0x1  }
0x97: {  	s17 =	sld [smem:$0x3FFB];
	_ =	sdelay $0x3  }
0x98: {  	_ =	strace s17  }
0x99: {  	s3 =	sld [smem:$0x3FFC];
	_ =	sdelay $0x3  }
0x9a: {  	_ =	strace s3  }
0x9b: {  	s3 =	sld [smem:$0x3FFD];
	_ =	sdelay $0x3  }
0x9c: {  	_ =	strace s3  }
0x9d: {  	_ =	strace $0x8FFFFFFF  }
0x9e: {  	s18 =	sld [smem:$0x3FDB];
	_ =	sdelay $0x1  }
0x9f: {  	s19 =	simm.s32 $_scs_section_size  }
0xa0: {  	s5 =	simm.s32 $_size__tile_overlayer_lowered;
	s6 =	simm.s32 $_tile_overlayer_lowered  }
0xa1: {  	s22 =	simm.s32 $0x1BFF;
	s21 =	sshll.u32 s6, $0x1;
	s3 =	sadd.s32 s19, s18  }
0xa2: {  	s7 =	simm.s32 $0x0;
	s20 =	sshll.u32 s5, $0x1;
	s5 =	sadd.s32 s21, s3  }
0xa3: {  	[timem:s7], [sflag:s22] =	dma.local [hbm:s5], s20  }
0xa4: {  	_ =	swait.ge [sflag:s22], s20  }
0xa5: {  	s4 =	ssub.s32 $0x0, s20;
	[sflag:s22] =	ssyncset.done $0x0  }
0xa6: {  	[sflag:s22] =	ssyncadd.s32 s4;
	_ =	sdelay $0x1  }
0xa7: {  	s23 =	simm.s32 $0x1B8B  }
0xa8: {  	_ =	swait.ge [sflag:s23], $0x1  }
0xa9: {  	[sflag:s23] =	ssyncset.done $0x0  }
0xaa: {  	s25 =	simm.s32 $0x1B8E;
	s24 =	sld [smem:$0x3FFE];
	[sflag:s23] =	ssyncadd.s32 $0xFFFFFFFF  }
0xab: {  	s26 =	simm.s32 $execute0_lowered;
	[smem:$0x3FD2] =	sst s25  }
0xac: {  	s5 =	sshll.u32 s26, $0x1;
	_ =	strace $0x8000004F;
	[dreg:$0x1] =	wrdreg $0xFFFFFFFF  }
0xad: {  	s28 =	simm.s32 $_size_execute0_lowered;
	s3 =	sadd.s32 s3, s5;
	[dreg:$0x0] =	wrdreg $0x0  }
0xae: {  	s5 =	sshll.u32 s28, $0x1;
	[dreg:$0x2] =	wrdreg s3  }
0xaf: {  	[dreg:$0x3] =	wrdreg s5  }
0xb0: {  	[dreg:$0x4] =	wrdreg $0xC0  }
0xb1: {  	_ =	task [dreg:s7], $0x5FFFF  }
0xb2: {  	[dreg:$0x1] =	wrdreg $0xFFFFFFFF  }
0xb3: {  	[dreg:$0x0] =	wrdreg $0x60  }
0xb4: {  	[dreg:$0x2] =	wrdreg s24  }
0xb5: {  	[dreg:$0x3] =	wrdreg s16  }
0xb6: {  	[dreg:$0x4] =	wrdreg $0x90000  }
0xb7: {  	[dreg:$0x5] =	wrdreg $0x9  }
0xb8: {  	_ =	task.clear_ibuf [dreg:s7], $0x6FFFF;
	_ =	strace $0x9000004F  }
0xb9: {  	s29 =	simm.s32 $0x9;
	_ =	strace $0x80000051  }
0xba: {  	_ =	swait.ge [sflag:s29], $0x1  }
0xbb: {  	[sflag:s29] =	ssyncadd.s32 $0xFFFFFFFF  }
0xbc: {  	_ =	strace $0x90000051  }
0xbd: {  	_ =	sfence  }
0xbe: {  	s30 =	sld [smem:$0x0];
	_ =	sdelay $0x2  }
0xbf: {  	s31 =	sshll.u32 s1, $0xD;
	s1 =	sshrl.u32 s1, $0x2  }
0xc0: {  	s3 =	sand.u32 $0x4000, s31;
	s1 =	sadd.s32 s1, s30  }
0xc1: {  	s0 =	sor.u32 s3, s0;
	s1 =	sshll.u32 s1, $0x11  }
0xc2: {  	s0 =	sor.u32 s1, s0  }
0xc3: {  	s0 =	sadd.s32 $0x8F2B, s0  }
0xc4: {  	[sflag:s0] =	ssyncadd.remote.s32 $0x1  }
0xc5: {  	_ =	sfence.sel $0xFFFF  }
0xc6: {  	[dreg:$0x0] =	wrdreg $0xFFFFFFFF;
	(pc) =	sbr.abs _section_cstart, $3  }
0xc7: {  	[dreg:$0x1] =	wrdreg $0xFFFFFFFF  }
0xc8: {  	_ =	task.clear_ibuf [dreg:s7], $0x2FFFF;
	_ =	strace $0x9FFFFFFF  }
0xc9: {  	(tm) =	ssettm $0x7FFFFFFF  }
tec
execute0_lowered:
.L_overlay_start_1:
0x0: {  	(tag) =	ssettag $0x1  }
0x1: {  	s5 =	rddreg [dreg:$0x0]  }
0x2: {  	s7 =	rddreg [dreg:$0x1]  }
0x3: {  	s2 =	rddreg [dreg:$0x2]  }
0x4: {  	s0 =	rddreg [dreg:$0x3];
	s3 =	simm.s32 $0x0;
	s1 =	stileid.u32  }
0x5: {  	s4 =	srdreg.scid;
	s15 =	simm.s32 $0x5000;
	s6 =	smul.u32 $0x2800, s1  }
0x6: {  	s16 =	simm.s32 $0x1;
	s17 =	simm.s32 $0x0;
	s8 =	smul.u32 $0x2780, s1  }
0x7: {  	[smem:$0x7FF] =	sst s3;
	s9 =	sand.u32 $0x1, s4;
	s13 =	smul.u32 $0x4F000, s1  }
0x8: {  	s4 =	sadd.s32 $0x9C00, s5;
	s31 =	sshll.u32 s1, $0x6;
	s11 =	smul.u32 $0x27800, s9  }
0x9: {  	_ =	strace $0x80000050;
	s28 =	ssub.s32 $0x2, s9;
	s9 =	smul.u32 $0x28000, s9  }
0xa: {  	s10 =	sshrl.u32 s6, $0x3;
	s12 =	sadd.s32 s8, s5;
	s29 =	sshrl.u32 s28, $0x1  }
0xb: {  	s30 =	sshrl.u32 s13, $0x2;
	s10 =	sadd.s32 s10, s5;
	s8 =	sadd.s32 s8, s11  }
0xc: {  	s11 =	ssub.s32 s28, s29;
	s13 =	sadd.s32 s30, s2;
	s6 =	sadd.s32 s6, s9  }
0xd: {  	s14 =	sadd.s32 s8, s5;
	s5 =	sadd.s32 $0x57E00, s12;
	s9 =	sshrl.u32 s6, $0x3  }
0xe: {  	s6 =	sor.u32 $0x1C02, s31;
	s8 =	sadd.s32 $0x4C00, s10;
	s10 =	smax.u32 s11, $0x1  }
0xf: {  	s11 =	sshrl.u32 s13, $0x3;
	s12 =	simm.s32 $0x2;
	s13 =	simm.s32 $0x2800  }
0x10: {  	s7 =	sadd.s32 s7, s9;
	s9 =	sadd.s32 $0x7F600, s14;
	s14 =	simm.s32 $0x80  }
.LBB2_1:
0x11: {  	[spmem:s11], [sflag:s6] =	dma.local [hbm:s5], $0x2780  }
0x12: {  	_ =	swait.ge [sflag:s12], $0x2780  }
0x13: {  	[sflag:s12] =	ssyncset.done $0x0  }
0x14: {  	[sflag:s12] =	ssyncadd.s32 $0xFFFFD880  }
0x15: {  	[tilespmem:s3], [sflag:$0x2] =	stream.linear.gather [hbm4b:s7+s3], $0x2780, $0x38;
	[tilespmem:$0x1CC00] =	vst v63  }
0x16: {  	_ =	swait.ge [sflag:s12], $0x2780  }
0x17: {  	[sflag:s12] =	ssyncset.done $0x0  }
0x18: {  	[sflag:s12] =	ssyncadd.s32 $0xFFFFD880  }
0x19: {  	[tilespmem:s13], [sflag:$0x2] =	stream.linear.gather [hbm4b:s8+s3], $0x2780, $0x38;
	[tilespmem:$0x1CC00] =	vst v63  }
0x1a: {  	_ =	swait.ge [sflag:s12], $0x2780  }
0x1b: {  	[sflag:s12] =	ssyncset.done $0x0  }
0x1c: {  	[sflag:s12] =	ssyncadd.s32 $0xFFFFD880  }
0x1d: {  	s18 =	simm.s32 $0x0;
	[bflag:$0x0] =	sbarrier.arrive $0xFFFF  }
0x1e: {  	[tilespmem:s15], [sflag:$0x1] =	stream.indirect.gather [hbm4b:s4+s14], $0x80, s18, s14, $0xb8;
	[tilespmem:$0x1CC00] =	vst v63  }
0x1f: {  	_ =	swait.ge [sflag:s16], $0x4000  }
0x20: {  	[sflag:s16] =	ssyncset.done $0x0  }
0x21: {  	s31 =	simm.s32 $0x2800;
	[sflag:s16] =	ssyncadd.s32 $0xFFFFC000  }
0x22: {  	[spmem:s2] =	stream.indirect.scatter.add.f32 [tilespmem:s15], [sflag:$0x2], $0x80, s31, s14, $0xb8;
	[tilespmem:$0x1CC00] =	vst v63  }
0x23: {  	_ =	swait.ge [sflag:s12], $0x4000  }
0x24: {  	s19 =	simm.s32 $0x400;
	s18 =	simm.s32 $0x200;
	[sflag:s12] =	ssyncset.done $0x0  }
.LBB2_2:
0x25: {  	s20 =	sshra.s32 s18, $0x2  }
0x26: {  	[sflag:s12] =	ssyncadd.s32 $0xFFFFC000;
	s18 =	smov.u32 s19;
	s21 =	sadd.s32 $0x200, s19  }
0x27: {  	[tilespmem:s15], [sflag:$0x1] =	stream.indirect.gather [hbm4b:s4+s14], $0x80, s20, s14, $0xb8;
	[tilespmem:$0x1CC00] =	vst v63  }
0x28: {  	p0 =	sne.s32 s19, $0x9C00;
	_ =	swait.ge [sflag:s16], $0x4000  }
.Ltmp0:
0x29: {  	[sflag:s16] =	ssyncset.done $0x0;
	(pc) =	sbr.rel @p0 .LBB2_2-.Ltmp0, $4  }
0x2a: {  	s19 =	sadd.s32 $0x2800, s20;
	[sflag:s16] =	ssyncadd.s32 $0xFFFFC000  }
0x2b: {  	[spmem:s2] =	stream.indirect.scatter.add.f32 [tilespmem:s15], [sflag:$0x2], $0x80, s19, s14, $0xb8;
	[tilespmem:$0x1CC00] =	vst v63  }
0x2c: {  	_ =	swait.ge [sflag:s12], $0x4000  }
0x2d: {  	s19 =	smov.u32 s21;
	[sflag:s12] =	ssyncset.done $0x0  }
0x2e: {  	s18 =	sshra.s32 s18, $0x2;
	[sflag:s12] =	ssyncadd.s32 $0xFFFFC000  }
0x2f: {  	[tilespmem:s15], [sflag:$0x1] =	stream.indirect.gather [hbm4b:s4+s14], $0x80, s18, s14, $0xb8;
	[tilespmem:$0x1CC00] =	vst v63  }
0x30: {  	_ =	swait.ge [sflag:s16], $0x4000  }
0x31: {  	[sflag:s16] =	ssyncset.done $0x0  }
0x32: {  	s18 =	sadd.s32 $0x2800, s18;
	[sflag:s16] =	ssyncadd.s32 $0xFFFFC000  }
0x33: {  	[spmem:s2] =	stream.indirect.scatter.add.f32 [tilespmem:s15], [sflag:$0x2], $0x80, s18, s14, $0xb8;
	[tilespmem:$0x1CC00] =	vst v63  }
0x34: {  	_ =	swait.ge [sflag:s12], $0x4000  }
0x35: {  	s17 =	sadd.s32 $0x1, s17;
	[sflag:s12] =	ssyncset.done $0x0  }
0x36: {  	p0 =	sne.s32 s17, s10;
	[sflag:s12] =	ssyncadd.s32 $0xFFFFC000  }
.Ltmp1:
0x37: {  	[bflag:$0x0] =	sbarrier.arrive $0xFFFF;
	(pc) =	sbr.rel @p0 .LBB2_1-.Ltmp1, $4  }
0x38: {  	[hbm:s9], [sflag:s6] =	dma.local [spmem:s11], $0x2780  }
0x39: {  	_ =	swait.ge [sflag:s12], $0x2780  }
0x3a: {  	[sflag:s12] =	ssyncset.done $0x0  }
0x3b: {  	[sflag:s12] =	ssyncadd.s32 $0xFFFFD880  }
0x3c: {  	_ =	sfence.sel $0x180000  }
0x3d: {  	[bflag:$0x0] =	sbarrier.arrive $0xFFFF  }
0x3e: {  	p0 =	sne.s32 s1, $0x0;
	_ =	strace $0x90000050  }
0x3f: {  	s0 =	sadd.s32 @!p0 $0x100000, s0;
	[bflag:$0x2] =	sbarrier.arrive $0xFFFF  }
0x40: {  	[sflag:s0] =	ssyncadd.tile.s32 @!p0 $0x1;
	_ =	shalt  }
.Lfunc_end2:
_tile_overlayer_lowered:
.L_overlay_start_2:
0x41: {  	(tag) =	ssettag $0x2  }
0x42: {  	s0 =	rddreg [dreg:$0x0];
	s2 =	stileid.u32  }
0x43: {  	s1 =	rddreg [dreg:$0x1];
	p0 =	sne.s32 s2, $0x0  }
0x44: {  	s3 =	rddreg [dreg:$0x2];
	[bflag:$0x3] =	sbarrier.arrive $0xFFFF;
	s2 =	simm.s32 @!p0 $0x1C02  }
0x45: {  	[timem:s3], [sflag:s2] =	dma.local @!p0 [hbm:s0], s1  }
0x46: {  	s0 =	simm.s32 @!p0 $0x2  }
0x47: {  	_ =	swait.ge @!p0 [sflag:s0], s1  }
0x48: {  	s1 =	ssub.s32 @!p0 $0x0, s1;
	[sflag:s0] =	ssyncset.done @!p0 $0x0  }
0x49: {  	[sflag:s0] =	ssyncadd.s32 @!p0 s1  }
0x4a: {  	[bflag:$0x3] =	sbarrier.arrive $0xFFFF  }
0x4b: {  	_ =	shalt  }

</sc_bundles>
